<compile_context>
chip_gen: v7x
topology: tpu7x:2x2x1
jax: 0.10.2.dev20260603
libtpu: 0.0.44.dev20260713+nightly
codegen_flags: <defaults>
</compile_context>

<pallas_src>
import functools

import jax
import jax.numpy as jnp
from jax import lax
from jax.experimental import pallas as pl
from jax.experimental.pallas import tpu as pltpu
from jax.experimental.pallas import tpu_sc as plsc

_N = 10000
_E = 320000
_D = 128
_H = 128
_C = 2
_G = 64

_NC = 2
_NS = 16
_NW = _NC * _NS
_EPT = _E // _NW
_K = 80
_NCHUNK = _EPT // _K
_NPAD = 10240
_HR = _NPAD // 128
_RPT = 632
_RPT_LAST = _N - 15 * _RPT

@functools.cache
def _mesh():
    return plsc.VectorSubcoreMesh(core_axis_name="c", subcore_axis_name="s",
                                  num_cores=_NC, num_subcores=_NS)


_SEG = _NPAD // _NS


def _deg_body(ei4_hbm, out_hbm, idx_v, hist_v, part_v, res_v, hist_sh):
    cid = lax.axis_index("c")
    sid = lax.axis_index("s")
    wid = sid * _NC + cid

    pltpu.sync_copy(ei4_hbm.at[1, wid], idx_v)

    zeros16 = jnp.zeros((16,), jnp.float32)

    def zbody(i, carry):
        hist_v[pl.ds(i * 16, 16)] = zeros16
        return carry

    lax.fori_loop(0, _NPAD // 16, zbody, 0)

    ones16 = jnp.ones((16,), jnp.float32)

    def hrow(r, carry):
        def hcol(j, carry2):
            v = idx_v[r, pl.ds(j * 16, 16)]
            plsc.addupdate_scatter(hist_v, [v], ones16)
            return carry2

        return lax.fori_loop(0, _K // 16, hcol, carry)

    lax.fori_loop(0, _NCHUNK, hrow, 0)

    pltpu.sync_copy(hist_v, hist_sh.at[sid])
    plsc.subcore_barrier()
    for j in range(_NS):
        pltpu.sync_copy(hist_sh.at[j, pl.ds(sid * _SEG, _SEG)], part_v.at[j])

    def sbody(i, carry):
        acc = part_v[0, pl.ds(i * 16, 16)]
        for j in range(1, _NS):
            acc = acc + part_v[j, pl.ds(i * 16, 16)]
        res_v[pl.ds(i * 16, 16)] = acc
        return carry

    lax.fori_loop(0, _SEG // 16, sbody, 0)
    pltpu.sync_copy(res_v, out_hbm.at[cid, pl.ds(sid * _SEG, _SEG)])


@jax.jit
def _deg_call(ei):
    return pl.kernel(
        _deg_body,
        out_type=jax.ShapeDtypeStruct((_NC, _NPAD), jnp.float32),
        mesh=_mesh(),
        scratch_types=[
            pltpu.VMEM((_NCHUNK, _K), jnp.int32),
            pltpu.VMEM((_NPAD,), jnp.float32),
            pltpu.VMEM((_NS, _SEG), jnp.float32),
            pltpu.VMEM((_SEG,), jnp.float32),
            pltpu.VMEM_SHARED((_NS, _NPAD), jnp.float32),
        ],
        compiler_params=pltpu.CompilerParams(needs_layout_passes=False),
    )(ei)


def _mm_body(x_ref, w1_ref, deg_ref, y_ref, dinv_ref):
    degt = deg_ref[0] + deg_ref[1] + 1.0
    dinv = lax.rsqrt(degt)
    y_ref[...] = dinv * jnp.dot(x_ref[...], w1_ref[...],
                                preferred_element_type=jnp.float32)
    dinv_ref[...] = dinv


@jax.jit
def _mm_call(x, W1, deg3):
    bn = 2000
    return pl.pallas_call(
        _mm_body,
        grid=(_N // bn,),
        in_specs=[
            pl.BlockSpec((bn, _D), lambda i: (i, 0)),
            pl.BlockSpec((_D, _H), lambda i: (0, 0)),
            pl.BlockSpec((2, bn, 1), lambda i: (0, i, 0)),
        ],
        out_specs=[
            pl.BlockSpec((bn, _H), lambda i: (i, 0)),
            pl.BlockSpec((bn, 1), lambda i: (i, 0)),
        ],
        out_shape=[
            jax.ShapeDtypeStruct((_N, _H), jnp.float32),
            jax.ShapeDtypeStruct((_N, 1), jnp.float32),
        ],
    )(x, W1, deg3)


def _agg_body(src_hbm, ei4_hbm, y_hbm, zero_hbm, out_hbm,
              sidx_v, didx_v, rows0_v, rows1_v, acc_sh, semg0, semg1):
    cid = lax.axis_index("c")
    sid = lax.axis_index("s")
    wid = sid * _NC + cid

    pltpu.sync_copy(src_hbm.at[pl.ds(wid * _EPT, _EPT)], sidx_v)
    pltpu.sync_copy(ei4_hbm.at[1, wid], didx_v)

    @pl.when((cid == 0) & (sid < 15))
    def _():
        pltpu.sync_copy(y_hbm.at[pl.ds(sid * _RPT, _RPT)],
                        acc_sh.at[pl.ds(sid * _RPT, _RPT)])

    @pl.when((cid == 0) & (sid == 15))
    def _():
        pltpu.sync_copy(y_hbm.at[pl.ds(15 * _RPT, _RPT_LAST)],
                        acc_sh.at[pl.ds(15 * _RPT, _RPT_LAST)])

    @pl.when((cid == 1) & (sid < 15))
    def _():
        pltpu.sync_copy(zero_hbm, acc_sh.at[pl.ds(sid * _RPT, _RPT)])

    @pl.when((cid == 1) & (sid == 15))
    def _():
        pltpu.sync_copy(zero_hbm.at[pl.ds(0, _RPT_LAST)],
                        acc_sh.at[pl.ds(15 * _RPT, _RPT_LAST)])

    plsc.subcore_barrier()

    pltpu.async_copy(y_hbm.at[sidx_v.at[pl.ds(0, _K)]], rows0_v, semg0)
    pltpu.async_copy(y_hbm.at[sidx_v.at[pl.ds(_K, _K)]], rows1_v, semg1)

    def body(i, carry):
        c = i * 2
        pltpu.make_async_copy(y_hbm.at[sidx_v.at[pl.ds(c * _K, _K)]],
                              rows0_v, semg0).wait()
        pltpu.sync_copy(rows0_v, acc_sh.at[didx_v.at[c]], add=True)

        @pl.when(c + 2 < _NCHUNK)
        def _():
            pltpu.async_copy(y_hbm.at[sidx_v.at[pl.ds((c + 2) * _K, _K)]],
                             rows0_v, semg0)

        pltpu.make_async_copy(y_hbm.at[sidx_v.at[pl.ds((c + 1) * _K, _K)]],
                              rows1_v, semg1).wait()
        pltpu.sync_copy(rows1_v, acc_sh.at[didx_v.at[c + 1]], add=True)

        @pl.when(c + 3 < _NCHUNK)
        def _():
            pltpu.async_copy(y_hbm.at[sidx_v.at[pl.ds((c + 3) * _K, _K)]],
                             rows1_v, semg1)

        return carry

    lax.fori_loop(0, _NCHUNK // 2, body, 0)

    tc = _NCHUNK - 1
    pltpu.make_async_copy(y_hbm.at[sidx_v.at[pl.ds(tc * _K, _K)]],
                          rows0_v, semg0).wait()
    pltpu.sync_copy(rows0_v, acc_sh.at[didx_v.at[tc]], add=True)

    plsc.subcore_barrier()

    @pl.when(sid < 15)
    def _():
        pltpu.sync_copy(acc_sh.at[pl.ds(sid * _RPT, _RPT)],
                        out_hbm.at[cid, pl.ds(sid * _RPT, _RPT)])

    @pl.when(sid == 15)
    def _():
        pltpu.sync_copy(acc_sh.at[pl.ds(15 * _RPT, _RPT_LAST)],
                        out_hbm.at[cid, pl.ds(15 * _RPT, _RPT_LAST)])


@jax.jit
def _agg_call(src_flat, ei4, y):
    zero = jnp.zeros((_RPT, _H), jnp.float32)
    return pl.kernel(
        _agg_body,
        out_type=jax.ShapeDtypeStruct((_NC, _N, _H), jnp.float32),
        mesh=_mesh(),
        scratch_types=[
            pltpu.VMEM((_EPT,), jnp.int32),
            pltpu.VMEM((_NCHUNK, _K), jnp.int32),
            pltpu.VMEM((_K, _H), jnp.float32),
            pltpu.VMEM((_K, _H), jnp.float32),
            pltpu.VMEM_SHARED((_N, _H), jnp.float32),
            pltpu.SemaphoreType.DMA,
            pltpu.SemaphoreType.DMA,
        ],
        compiler_params=pltpu.CompilerParams(needs_layout_passes=False),
    )(src_flat, ei4, y, zero)


def _finish_body(acc_ref, dinv_ref, batch_ref, b1_ref, w2_ref,
                 b2_ref, out_ref, pooled_ref):
    i = pl.program_id(0)
    nb = pl.num_programs(0)

    @pl.when(i == 0)
    def _():
        pooled_ref[...] = jnp.full((_G, _H), -jnp.inf, jnp.float32)

    h = dinv_ref[...] * (acc_ref[0] + acc_ref[1]) + b1_ref[...]
    h = jnp.maximum(h, 0.0)

    b = batch_ref[...]
    blo = jnp.min(b)
    bhi = jnp.max(b)

    def gbody(g, carry):
        vals = jnp.where(b == g, h, -jnp.inf)
        red = jnp.max(vals, axis=0, keepdims=True)
        cur = pooled_ref[pl.ds(g, 1), :]
        pooled_ref[pl.ds(g, 1), :] = jnp.maximum(cur, red)
        return carry

    lax.fori_loop(blo, bhi + 1, gbody, 0)

    @pl.when(i == nb - 1)
    def _():
        logits = jnp.dot(pooled_ref[...], w2_ref[...],
                         preferred_element_type=jnp.float32) + b2_ref[...]
        mx = jnp.max(logits, axis=1, keepdims=True)
        lse = mx + jnp.log(jnp.sum(jnp.exp(logits - mx), axis=1,
                                   keepdims=True))
        out_ref[...] = logits - lse


@jax.jit
def _finish_call(acc, dinv, batch2, b1r, W2, b2r):
    bn = 1000
    return pl.pallas_call(
        _finish_body,
        grid=(_N // bn,),
        in_specs=[
            pl.BlockSpec((2, bn, _H), lambda i: (0, i, 0)),
            pl.BlockSpec((bn, 1), lambda i: (i, 0)),
            pl.BlockSpec((bn, 1), lambda i: (i, 0)),
            pl.BlockSpec((1, _H), lambda i: (0, 0)),
            pl.BlockSpec((_H, _C), lambda i: (0, 0)),
            pl.BlockSpec((1, _C), lambda i: (0, 0)),
        ],
        out_specs=pl.BlockSpec((_G, _C), lambda i: (0, 0)),
        out_shape=jax.ShapeDtypeStruct((_G, _C), jnp.float32),
        scratch_shapes=[pltpu.VMEM((_G, _H), jnp.float32)],
    )(acc, dinv, batch2, b1r, W2, b2r)


def kernel(x, edge_index, batch, W1, b1, W2, b2):
    ei = edge_index.astype(jnp.int32)
    ei4 = ei.reshape(2, _NW, _NCHUNK, _K)

    deg2 = _deg_call(ei4)
    deg3 = deg2[:, :_N].reshape(_NC, _N, 1)
    y, dinv = _mm_call(x, W1, deg3)
    acc = _agg_call(ei[0], ei4, y)
    out = _finish_call(acc, dinv,
                       batch.astype(jnp.int32).reshape(_N, 1),
                       b1.reshape(1, _H), W2, b2.reshape(1, _C))
    return out

# --- scband reference (transcript-rebuilt; emitter-appended) ---
"""Pipeline reference for scband-simple-gnn-73306501808604 (READ-ONLY COPY).

The authoritative reference and input builder live on the scoring server;
editing this copy changes nothing except your own understanding.
"""

import jax, jax.numpy as jnp
import numpy as np

N = 10000
E = 320000
D = 128
H = 128
C = 2
G = 64


def setup_inputs(seed: int = 0) -> dict:
    key = jax.random.key(seed)
    ks = jax.random.split(key, 8)
    x = jax.random.normal(ks[0], (N, D), dtype=jnp.float32)
    edge_index = jax.random.randint(ks[1], (2, E), 0, N)
    batch = jnp.sort(jax.random.randint(ks[2], (N,), 0, G))
    W1 = jax.random.normal(ks[3], (D, H), dtype=jnp.float32) * (1.0 / np.sqrt(D))
    b1 = jnp.zeros((H,), dtype=jnp.float32)
    W2 = jax.random.normal(ks[4], (H, C), dtype=jnp.float32) * (1.0 / np.sqrt(H))
    b2 = jnp.zeros((C,), dtype=jnp.float32)
    return {"x": x, "edge_index": edge_index, "batch": batch,
            "W1": W1, "b1": b1, "W2": W2, "b2": b2}


def reference(x, edge_index, batch, W1, b1, W2, b2):
    num_nodes = x.shape[0]
    # GCNConv: add self loops, symmetric normalization
    loop = jnp.arange(num_nodes)
    src = jnp.concatenate([edge_index[0], loop])
    dst = jnp.concatenate([edge_index[1], loop])
    deg = jnp.zeros((num_nodes,), dtype=x.dtype).at[dst].add(1.0)
    dinv = jnp.where(deg > 0, jax.lax.rsqrt(jnp.maximum(deg, 1e-12)), 0.0)
    norm = dinv[src] * dinv[dst]
    xw = x @ W1
    msg = xw[src] * norm[:, None]
    h = jax.ops.segment_sum(msg, dst, num_segments=num_nodes) + b1
    h = jax.nn.relu(h)
    # global max pool per graph
    pooled = jax.ops.segment_max(h, batch, num_segments=G)
    logits = pooled @ W2 + b2
    return jax.nn.log_softmax(logits, axis=-1)

if __name__ == "__main__":
    import jax
    _d = setup_inputs()
    print(jax.jit(kernel)(*tuple(_d.values())))

</pallas_src>

<mosaic_0001>
#map = affine_map<(d0, d1) -> (0, 0, 0, 0)>
#map1 = affine_map<(d0, d1) -> (0, 0)>
module attributes {stable_mosaic.version = 14 : i64} {
  func.func @_deg_body(%arg0: i32, %arg1: i32, %arg2: memref<2x32x125x80xi32, #tpu.memory_space<hbm>>, %arg3: memref<2x10240xf32, #tpu.memory_space<hbm>>, %arg4: memref<125x80xi32, #tpu.memory_space<vmem>>, %arg5: memref<10240xf32, #tpu.memory_space<vmem>>, %arg6: memref<16x640xf32, #tpu.memory_space<vmem>>, %arg7: memref<640xf32, #tpu.memory_space<vmem>>, %arg8: memref<16x10240xf32, #tpu.memory_space<vmem_shared>>) attributes {dimension_semantics = [#tpu.dimension_semantics<core_parallel>, #tpu.dimension_semantics<subcore_parallel>], iteration_bounds = array<i64: 2, 16>, scalar_prefetch = 0 : i64, scratch_operands = 5 : i64, tpu.core_type = #tpu.core_type<sc_vector_subcore>, window_params = [{transform_indices = #map}, {transform_indices = #map1}]} {
    %mul3A = arith.constant 2 : i32
    %mul3A_0 = arith.muli %arg1, %mul3A : i32
    %add3A = arith.addi %mul3A_0, %arg0 : i32
    %run_scoped3A = arith.constant 1 : i32
    "tpu.region"() ({
      %run_scoped3A_87 = tpu.sem_alloc : memref<!tpu.dma_semaphore, #tpu.memory_space<semaphore_mem>>
      %dma_start3A = arith.constant 0 : i32
      %dma_start3A_88 = arith.constant 0 : i32
      %dma_start3A_89 = tpu.memref_slice %arg2[%run_scoped3A, %add3A, %dma_start3A, %dma_start3A_88] : memref<2x32x125x80xi32, #tpu.memory_space<hbm>> -> memref<1x1x125x80xi32, #tpu.memory_space<hbm>>
      %dma_start3A_90 = tpu.memref_squeeze %dma_start3A_89 : memref<1x1x125x80xi32, #tpu.memory_space<hbm>> -> memref<125x80xi32, #tpu.memory_space<hbm>>
      %dma_start3A_91 = arith.constant 0 : i32
      %dma_start3A_92 = arith.constant 0 : i32
      %dma_start3A_93 = tpu.memref_slice %arg2[%run_scoped3A, %add3A, %dma_start3A_91, %dma_start3A_92] : memref<2x32x125x80xi32, #tpu.memory_space<hbm>> -> memref<1x1x125x80xi32, #tpu.memory_space<hbm>>
      %dma_start3A_94 = tpu.memref_squeeze %dma_start3A_93 : memref<1x1x125x80xi32, #tpu.memory_space<hbm>> -> memref<125x80xi32, #tpu.memory_space<hbm>>
      tpu.enqueue_dma source(%dma_start3A_94 : memref<125x80xi32, #tpu.memory_space<hbm>>) target(%arg4 : memref<125x80xi32, #tpu.memory_space<vmem>>) target_semaphore(%run_scoped3A_87 : memref<!tpu.dma_semaphore, #tpu.memory_space<semaphore_mem>>)
      %dma_wait3A = arith.constant 0 : i32
      %dma_wait3A_95 = arith.constant 0 : i32
      %dma_wait3A_96 = tpu.memref_slice %arg2[%run_scoped3A, %add3A, %dma_wait3A, %dma_wait3A_95] : memref<2x32x125x80xi32, #tpu.memory_space<hbm>> -> memref<1x1x125x80xi32, #tpu.memory_space<hbm>>
      %dma_wait3A_97 = tpu.memref_squeeze %dma_wait3A_96 : memref<1x1x125x80xi32, #tpu.memory_space<hbm>> -> memref<125x80xi32, #tpu.memory_space<hbm>>
      %dma_wait3A_98 = arith.constant 0 : i32
      %dma_wait3A_99 = arith.constant 0 : i32
      %dma_wait3A_100 = tpu.memref_slice %arg2[%run_scoped3A, %add3A, %dma_wait3A_98, %dma_wait3A_99] : memref<2x32x125x80xi32, #tpu.memory_space<hbm>> -> memref<1x1x125x80xi32, #tpu.memory_space<hbm>>
      %dma_wait3A_101 = tpu.memref_squeeze %dma_wait3A_100 : memref<1x1x125x80xi32, #tpu.memory_space<hbm>> -> memref<125x80xi32, #tpu.memory_space<hbm>>
      tpu.wait_dma2 semaphore(%run_scoped3A_87 : memref<!tpu.dma_semaphore, #tpu.memory_space<semaphore_mem>>) src(%dma_wait3A_101 : memref<125x80xi32, #tpu.memory_space<hbm>>) dst(%arg4 : memref<125x80xi32, #tpu.memory_space<vmem>>)
      tpu.yield
    }) : () -> ()
    %broadcast_in_dim3A = arith.constant 0.000000e+00 : f32
    %broadcast_in_dim3A_1 = vector.broadcast %broadcast_in_dim3A : f32 to vector<16xf32>
    %scan3A = arith.constant 0 : i32
    %scan3A_2 = arith.constant 0 : i32
    %scan3A_3 = arith.constant 640 : i32
    %scan3A_4 = arith.addi %scan3A_2, %scan3A_3 : i32
    %scan3A_5 = arith.constant 1 : i32
    scf.for %scan3A_87 = %scan3A_2 to %scan3A_4 step %scan3A_5  : i32 {
      %mul3A_88 = arith.constant 16 : i32
      %mul3A_89 = arith.muli %scan3A_87, %mul3A_88 : i32
      %swap3A = arith.index_cast %mul3A_89 : i32 to index
      %swap3A_90 = tpu.vector_load %arg5[%swap3A] {strides = array<i32>} : memref<10240xf32, #tpu.memory_space<vmem>>, vector<16xf32>,
      tpu.vector_store %arg5[%swap3A], %broadcast_in_dim3A_1 {strides = array<i32>} : memref<10240xf32, #tpu.memory_space<vmem>>, vector<16xf32>,
    }
    %scan3A_6 = arith.constant 640 : i32
    %broadcast_in_dim3A_7 = arith.constant 1.000000e+00 : f32
    %broadcast_in_dim3A_8 = vector.broadcast %broadcast_in_dim3A_7 : f32 to vector<16xf32>
    %scan3A_9 = arith.constant 0 : i32
    %scan3A_10 = arith.constant 0 : i32
    %scan3A_11 = arith.constant 125 : i32
    %scan3A_12 = arith.addi %scan3A_10, %scan3A_11 : i32
    %scan3A_13 = arith.constant 1 : i32
    scf.for %scan3A_87 = %scan3A_10 to %scan3A_12 step %scan3A_13  : i32 {
      %scan3A_88 = arith.constant 0 : i32
      %scan3A_89 = arith.constant 5 : i32
      %scan3A_90 = arith.addi %scan3A_88, %scan3A_89 : i32
      %scan3A_91 = arith.constant 1 : i32
      scf.for %scan3A_93 = %scan3A_88 to %scan3A_90 step %scan3A_91  : i32 {
        %mul3A_94 = arith.constant 16 : i32
        %mul3A_95 = arith.muli %scan3A_93, %mul3A_94 : i32
        %get3A = arith.index_cast %scan3A_87 : i32 to index
        %get3A_96 = arith.index_cast %mul3A_95 : i32 to index
        %get3A_97 = tpu.vector_load %arg4[%get3A, %get3A_96] {strides = array<i32>} : memref<125x80xi32, #tpu.memory_space<vmem>>, vector<16xi32>,
        tpu.vector_store_idx %arg5[%get3A_97], %broadcast_in_dim3A_8 {add = true} : memref<10240xf32, #tpu.memory_space<vmem>>[vector<16xi32>], vector<16xf32>,
      }
      %scan3A_92 = arith.constant 5 : i32
    }
    %scan3A_14 = arith.constant 125 : i32
    "tpu.region"() ({
      %run_scoped3A_87 = tpu.sem_alloc : memref<!tpu.dma_semaphore, #tpu.memory_space<semaphore_mem>>
      %dma_start3A = arith.constant 0 : i32
      %dma_start3A_88 = tpu.memref_slice %arg8[%arg1, %dma_start3A] : memref<16x10240xf32, #tpu.memory_space<vmem_shared>> -> memref<1x10240xf32, #tpu.memory_space<vmem_shared>>
      %dma_start3A_89 = tpu.memref_squeeze %dma_start3A_88 : memref<1x10240xf32, #tpu.memory_space<vmem_shared>> -> memref<10240xf32, #tpu.memory_space<vmem_shared>>
      %dma_start3A_90 = arith.constant 0 : i32
      %dma_start3A_91 = tpu.memref_slice %arg8[%arg1, %dma_start3A_90] : memref<16x10240xf32, #tpu.memory_space<vmem_shared>> -> memref<1x10240xf32, #tpu.memory_space<vmem_shared>>
      %dma_start3A_92 = tpu.memref_squeeze %dma_start3A_91 : memref<1x10240xf32, #tpu.memory_space<vmem_shared>> -> memref<10240xf32, #tpu.memory_space<vmem_shared>>
      tpu.enqueue_dma source(%arg5 : memref<10240xf32, #tpu.memory_space<vmem>>) target(%dma_start3A_92 : memref<10240xf32, #tpu.memory_space<vmem_shared>>) target_semaphore(%run_scoped3A_87 : memref<!tpu.dma_semaphore, #tpu.memory_space<semaphore_mem>>)
      %dma_wait3A = arith.constant 0 : i32
      %dma_wait3A_93 = tpu.memref_slice %arg8[%arg1, %dma_wait3A] : memref<16x10240xf32, #tpu.memory_space<vmem_shared>> -> memref<1x10240xf32, #tpu.memory_space<vmem_shared>>
      %dma_wait3A_94 = tpu.memref_squeeze %dma_wait3A_93 : memref<1x10240xf32, #tpu.memory_space<vmem_shared>> -> memref<10240xf32, #tpu.memory_space<vmem_shared>>
      %dma_wait3A_95 = arith.constant 0 : i32
      %dma_wait3A_96 = tpu.memref_slice %arg8[%arg1, %dma_wait3A_95] : memref<16x10240xf32, #tpu.memory_space<vmem_shared>> -> memref<1x10240xf32, #tpu.memory_space<vmem_shared>>
      %dma_wait3A_97 = tpu.memref_squeeze %dma_wait3A_96 : memref<1x10240xf32, #tpu.memory_space<vmem_shared>> -> memref<10240xf32, #tpu.memory_space<vmem_shared>>
      tpu.wait_dma2 semaphore(%run_scoped3A_87 : memref<!tpu.dma_semaphore, #tpu.memory_space<semaphore_mem>>) src(%arg5 : memref<10240xf32, #tpu.memory_space<vmem>>) dst(%dma_wait3A_97 : memref<10240xf32, #tpu.memory_space<vmem_shared>>)
      tpu.yield
    }) : () -> ()
    %barrier3A = arith.constant 0 : index
    tpu.barrier barrier_id(%barrier3A)
    %mul3A_15 = arith.constant 640 : i32
    %mul3A_16 = arith.muli %arg1, %mul3A_15 : i32
    %run_scoped3A_17 = arith.constant 0 : i32
    %run_scoped3A_18 = arith.constant 0 : i32
    "tpu.region"() ({
      %run_scoped3A_87 = tpu.sem_alloc : memref<!tpu.dma_semaphore, #tpu.memory_space<semaphore_mem>>
      %dma_start3A = arith.constant 0 : i32
      %dma_start3A_88 = tpu.memref_slice %arg6[%run_scoped3A_18, %dma_start3A] : memref<16x640xf32, #tpu.memory_space<vmem>> -> memref<1x640xf32, #tpu.memory_space<vmem>>
      %dma_start3A_89 = tpu.memref_squeeze %dma_start3A_88 : memref<1x640xf32, #tpu.memory_space<vmem>> -> memref<640xf32, #tpu.memory_space<vmem>>
      %dma_start3A_90 = tpu.memref_slice %arg8[%run_scoped3A_17, %mul3A_16] : memref<16x10240xf32, #tpu.memory_space<vmem_shared>> -> memref<1x640xf32, #tpu.memory_space<vmem_shared>>
      %dma_start3A_91 = tpu.memref_squeeze %dma_start3A_90 : memref<1x640xf32, #tpu.memory_space<vmem_shared>> -> memref<640xf32, #tpu.memory_space<vmem_shared>>
      %dma_start3A_92 = arith.constant 0 : i32
      %dma_start3A_93 = tpu.memref_slice %arg6[%run_scoped3A_18, %dma_start3A_92] : memref<16x640xf32, #tpu.memory_space<vmem>> -> memref<1x640xf32, #tpu.memory_space<vmem>>
      %dma_start3A_94 = tpu.memref_squeeze %dma_start3A_93 : memref<1x640xf32, #tpu.memory_space<vmem>> -> memref<640xf32, #tpu.memory_space<vmem>>
      %dma_start3A_95 = tpu.memref_slice %arg8[%run_scoped3A_17, %mul3A_16] : memref<16x10240xf32, #tpu.memory_space<vmem_shared>> -> memref<1x640xf32, #tpu.memory_space<vmem_shared>>
      %dma_start3A_96 = tpu.memref_squeeze %dma_start3A_95 : memref<1x640xf32, #tpu.memory_space<vmem_shared>> -> memref<640xf32, #tpu.memory_space<vmem_shared>>
      tpu.enqueue_dma source(%dma_start3A_96 : memref<640xf32, #tpu.memory_space<vmem_shared>>) target(%dma_start3A_94 : memref<640xf32, #tpu.memory_space<vmem>>) target_semaphore(%run_scoped3A_87 : memref<!tpu.dma_semaphore, #tpu.memory_space<semaphore_mem>>)
      %dma_wait3A = arith.constant 0 : i32
      %dma_wait3A_97 = tpu.memref_slice %arg6[%run_scoped3A_18, %dma_wait3A] : memref<16x640xf32, #tpu.memory_space<vmem>> -> memref<1x640xf32, #tpu.memory_space<vmem>>
      %dma_wait3A_98 = tpu.memref_squeeze %dma_wait3A_97 : memref<1x640xf32, #tpu.memory_space<vmem>> -> memref<640xf32, #tpu.memory_space<vmem>>
      %dma_wait3A_99 = tpu.memref_slice %arg8[%run_scoped3A_17, %mul3A_16] : memref<16x10240xf32, #tpu.memory_space<vmem_shared>> -> memref<1x640xf32, #tpu.memory_space<vmem_shared>>
      %dma_wait3A_100 = tpu.memref_squeeze %dma_wait3A_99 : memref<1x640xf32, #tpu.memory_space<vmem_shared>> -> memref<640xf32, #tpu.memory_space<vmem_shared>>
      %dma_wait3A_101 = arith.constant 0 : i32
      %dma_wait3A_102 = tpu.memref_slice %arg6[%run_scoped3A_18, %dma_wait3A_101] : memref<16x640xf32, #tpu.memory_space<vmem>> -> memref<1x640xf32, #tpu.memory_space<vmem>>
      %dma_wait3A_103 = tpu.memref_squeeze %dma_wait3A_102 : memref<1x640xf32, #tpu.memory_space<vmem>> -> memref<640xf32, #tpu.memory_space<vmem>>
      %dma_wait3A_104 = tpu.memref_slice %arg8[%run_scoped3A_17, %mul3A_16] : memref<16x10240xf32, #tpu.memory_space<vmem_shared>> -> memref<1x640xf32, #tpu.memory_space<vmem_shared>>
      %dma_wait3A_105 = tpu.memref_squeeze %dma_wait3A_104 : memref<1x640xf32, #tpu.memory_space<vmem_shared>> -> memref<640xf32, #tpu.memory_space<vmem_shared>>
      tpu.wait_dma2 semaphore(%run_scoped3A_87 : memref<!tpu.dma_semaphore, #tpu.memory_space<semaphore_mem>>) src(%dma_wait3A_105 : memref<640xf32, #tpu.memory_space<vmem_shared>>) dst(%dma_wait3A_103 : memref<640xf32, #tpu.memory_space<vmem>>)
      tpu.yield
    }) : () -> ()
    %mul3A_19 = arith.constant 640 : i32
    %mul3A_20 = arith.muli %arg1, %mul3A_19 : i32
    %run_scoped3A_21 = arith.constant 1 : i32
    %run_scoped3A_22 = arith.constant 1 : i32
    "tpu.region"() ({
      %run_scoped3A_87 = tpu.sem_alloc : memref<!tpu.dma_semaphore, #tpu.memory_space<semaphore_mem>>
      %dma_start3A = arith.constant 0 : i32
      %dma_start3A_88 = tpu.memref_slice %arg6[%run_scoped3A_22, %dma_start3A] : memref<16x640xf32, #tpu.memory_space<vmem>> -> memref<1x640xf32, #tpu.memory_space<vmem>>
      %dma_start3A_89 = tpu.memref_squeeze %dma_start3A_88 : memref<1x640xf32, #tpu.memory_space<vmem>> -> memref<640xf32, #tpu.memory_space<vmem>>
      %dma_start3A_90 = tpu.memref_slice %arg8[%run_scoped3A_21, %mul3A_20] : memref<16x10240xf32, #tpu.memory_space<vmem_shared>> -> memref<1x640xf32, #tpu.memory_space<vmem_shared>>
      %dma_start3A_91 = tpu.memref_squeeze %dma_start3A_90 : memref<1x640xf32, #tpu.memory_space<vmem_shared>> -> memref<640xf32, #tpu.memory_space<vmem_shared>>
      %dma_start3A_92 = arith.constant 0 : i32
      %dma_start3A_93 = tpu.memref_slice %arg6[%run_scoped3A_22, %dma_start3A_92] : memref<16x640xf32, #tpu.memory_space<vmem>> -> memref<1x640xf32, #tpu.memory_space<vmem>>
      %dma_start3A_94 = tpu.memref_squeeze %dma_start3A_93 : memref<1x640xf32, #tpu.memory_space<vmem>> -> memref<640xf32, #tpu.memory_space<vmem>>
      %dma_start3A_95 = tpu.memref_slice %arg8[%run_scoped3A_21, %mul3A_20] : memref<16x10240xf32, #tpu.memory_space<vmem_shared>> -> memref<1x640xf32, #tpu.memory_space<vmem_shared>>
      %dma_start3A_96 = tpu.memref_squeeze %dma_start3A_95 : memref<1x640xf32, #tpu.memory_space<vmem_shared>> -> memref<640xf32, #tpu.memory_space<vmem_shared>>
      tpu.enqueue_dma source(%dma_start3A_96 : memref<640xf32, #tpu.memory_space<vmem_shared>>) target(%dma_start3A_94 : memref<640xf32, #tpu.memory_space<vmem>>) target_semaphore(%run_scoped3A_87 : memref<!tpu.dma_semaphore, #tpu.memory_space<semaphore_mem>>)
      %dma_wait3A = arith.constant 0 : i32
      %dma_wait3A_97 = tpu.memref_slice %arg6[%run_scoped3A_22, %dma_wait3A] : memref<16x640xf32, #tpu.memory_space<vmem>> -> memref<1x640xf32, #tpu.memory_space<vmem>>
      %dma_wait3A_98 = tpu.memref_squeeze %dma_wait3A_97 : memref<1x640xf32, #tpu.memory_space<vmem>> -> memref<640xf32, #tpu.memory_space<vmem>>
      %dma_wait3A_99 = tpu.memref_slice %arg8[%run_scoped3A_21, %mul3A_20] : memref<16x10240xf32, #tpu.memory_space<vmem_shared>> -> memref<1x640xf32, #tpu.memory_space<vmem_shared>>
      %dma_wait3A_100 = tpu.memref_squeeze %dma_wait3A_99 : memref<1x640xf32, #tpu.memory_space<vmem_shared>> -> memref<640xf32, #tpu.memory_space<vmem_shared>>
      %dma_wait3A_101 = arith.constant 0 : i32
      %dma_wait3A_102 = tpu.memref_slice %arg6[%run_scoped3A_22, %dma_wait3A_101] : memref<16x640xf32, #tpu.memory_space<vmem>> -> memref<1x640xf32, #tpu.memory_space<vmem>>
      %dma_wait3A_103 = tpu.memref_squeeze %dma_wait3A_102 : memref<1x640xf32, #tpu.memory_space<vmem>> -> memref<640xf32, #tpu.memory_space<vmem>>
      %dma_wait3A_104 = tpu.memref_slice %arg8[%run_scoped3A_21, %mul3A_20] : memref<16x10240xf32, #tpu.memory_space<vmem_shared>> -> memref<1x640xf32, #tpu.memory_space<vmem_shared>>
      %dma_wait3A_105 = tpu.memref_squeeze %dma_wait3A_104 : memref<1x640xf32, #tpu.memory_space<vmem_shared>> -> memref<640xf32, #tpu.memory_space<vmem_shared>>
      tpu.wait_dma2 semaphore(%run_scoped3A_87 : memref<!tpu.dma_semaphore, #tpu.memory_space<semaphore_mem>>) src(%dma_wait3A_105 : memref<640xf32, #tpu.memory_space<vmem_shared>>) dst(%dma_wait3A_103 : memref<640xf32, #tpu.memory_space<vmem>>)
      tpu.yield
    }) : () -> ()
    %mul3A_23 = arith.constant 640 : i32
    %mul3A_24 = arith.muli %arg1, %mul3A_23 : i32
    %run_scoped3A_25 = arith.constant 2 : i32
    %run_scoped3A_26 = arith.constant 2 : i32
    "tpu.region"() ({
      %run_scoped3A_87 = tpu.sem_alloc : memref<!tpu.dma_semaphore, #tpu.memory_space<semaphore_mem>>
      %dma_start3A = arith.constant 0 : i32
      %dma_start3A_88 = tpu.memref_slice %arg6[%run_scoped3A_26, %dma_start3A] : memref<16x640xf32, #tpu.memory_space<vmem>> -> memref<1x640xf32, #tpu.memory_space<vmem>>
      %dma_start3A_89 = tpu.memref_squeeze %dma_start3A_88 : memref<1x640xf32, #tpu.memory_space<vmem>> -> memref<640xf32, #tpu.memory_space<vmem>>
      %dma_start3A_90 = tpu.memref_slice %arg8[%run_scoped3A_25, %mul3A_24] : memref<16x10240xf32, #tpu.memory_space<vmem_shared>> -> memref<1x640xf32, #tpu.memory_space<vmem_shared>>
      %dma_start3A_91 = tpu.memref_squeeze %dma_start3A_90 : memref<1x640xf32, #tpu.memory_space<vmem_shared>> -> memref<640xf32, #tpu.memory_space<vmem_shared>>
      %dma_start3A_92 = arith.constant 0 : i32
      %dma_start3A_93 = tpu.memref_slice %arg6[%run_scoped3A_26, %dma_start3A_92] : memref<16x640xf32, #tpu.memory_space<vmem>> -> memref<1x640xf32, #tpu.memory_space<vmem>>
      %dma_start3A_94 = tpu.memref_squeeze %dma_start3A_93 : memref<1x640xf32, #tpu.memory_space<vmem>> -> memref<640xf32, #tpu.memory_space<vmem>>
      %dma_start3A_95 = tpu.memref_slice %arg8[%run_scoped3A_25, %mul3A_24] : memref<16x10240xf32, #tpu.memory_space<vmem_shared>> -> memref<1x640xf32, #tpu.memory_space<vmem_shared>>
      %dma_start3A_96 = tpu.memref_squeeze %dma_start3A_95 : memref<1x640xf32, #tpu.memory_space<vmem_shared>> -> memref<640xf32, #tpu.memory_space<vmem_shared>>
      tpu.enqueue_dma source(%dma_start3A_96 : memref<640xf32, #tpu.memory_space<vmem_shared>>) target(%dma_start3A_94 : memref<640xf32, #tpu.memory_space<vmem>>) target_semaphore(%run_scoped3A_87 : memref<!tpu.dma_semaphore, #tpu.memory_space<semaphore_mem>>)
      %dma_wait3A = arith.constant 0 : i32
      %dma_wait3A_97 = tpu.memref_slice %arg6[%run_scoped3A_26, %dma_wait3A] : memref<16x640xf32, #tpu.memory_space<vmem>> -> memref<1x640xf32, #tpu.memory_space<vmem>>
      %dma_wait3A_98 = tpu.memref_squeeze %dma_wait3A_97 : memref<1x640xf32, #tpu.memory_space<vmem>> -> memref<640xf32, #tpu.memory_space<vmem>>
      %dma_wait3A_99 = tpu.memref_slice %arg8[%run_scoped3A_25, %mul3A_24] : memref<16x10240xf32, #tpu.memory_space<vmem_shared>> -> memref<1x640xf32, #tpu.memory_space<vmem_shared>>
      %dma_wait3A_100 = tpu.memref_squeeze %dma_wait3A_99 : memref<1x640xf32, #tpu.memory_space<vmem_shared>> -> memref<640xf32, #tpu.memory_space<vmem_shared>>
      %dma_wait3A_101 = arith.constant 0 : i32
      %dma_wait3A_102 = tpu.memref_slice %arg6[%run_scoped3A_26, %dma_wait3A_101] : memref<16x640xf32, #tpu.memory_space<vmem>> -> memref<1x640xf32, #tpu.memory_space<vmem>>
      %dma_wait3A_103 = tpu.memref_squeeze %dma_wait3A_102 : memref<1x640xf32, #tpu.memory_space<vmem>> -> memref<640xf32, #tpu.memory_space<vmem>>
      %dma_wait3A_104 = tpu.memref_slice %arg8[%run_scoped3A_25, %mul3A_24] : memref<16x10240xf32, #tpu.memory_space<vmem_shared>> -> memref<1x640xf32, #tpu.memory_space<vmem_shared>>
      %dma_wait3A_105 = tpu.memref_squeeze %dma_wait3A_104 : memref<1x640xf32, #tpu.memory_space<vmem_shared>> -> memref<640xf32, #tpu.memory_space<vmem_shared>>
      tpu.wait_dma2 semaphore(%run_scoped3A_87 : memref<!tpu.dma_semaphore, #tpu.memory_space<semaphore_mem>>) src(%dma_wait3A_105 : memref<640xf32, #tpu.memory_space<vmem_shared>>) dst(%dma_wait3A_103 : memref<640xf32, #tpu.memory_space<vmem>>)
      tpu.yield
    }) : () -> ()
    %mul3A_27 = arith.constant 640 : i32
    %mul3A_28 = arith.muli %arg1, %mul3A_27 : i32
    %run_scoped3A_29 = arith.constant 3 : i32
    %run_scoped3A_30 = arith.constant 3 : i32
    "tpu.region"() ({
      %run_scoped3A_87 = tpu.sem_alloc : memref<!tpu.dma_semaphore, #tpu.memory_space<semaphore_mem>>
      %dma_start3A = arith.constant 0 : i32
      %dma_start3A_88 = tpu.memref_slice %arg6[%run_scoped3A_30, %dma_start3A] : memref<16x640xf32, #tpu.memory_space<vmem>> -> memref<1x640xf32, #tpu.memory_space<vmem>>
      %dma_start3A_89 = tpu.memref_squeeze %dma_start3A_88 : memref<1x640xf32, #tpu.memory_space<vmem>> -> memref<640xf32, #tpu.memory_space<vmem>>
      %dma_start3A_90 = tpu.memref_slice %arg8[%run_scoped3A_29, %mul3A_28] : memref<16x10240xf32, #tpu.memory_space<vmem_shared>> -> memref<1x640xf32, #tpu.memory_space<vmem_shared>>
      %dma_start3A_91 = tpu.memref_squeeze %dma_start3A_90 : memref<1x640xf32, #tpu.memory_space<vmem_shared>> -> memref<640xf32, #tpu.memory_space<vmem_shared>>
      %dma_start3A_92 = arith.constant 0 : i32
      %dma_start3A_93 = tpu.memref_slice %arg6[%run_scoped3A_30, %dma_start3A_92] : memref<16x640xf32, #tpu.memory_space<vmem>> -> memref<1x640xf32, #tpu.memory_space<vmem>>
      %dma_start3A_94 = tpu.memref_squeeze %dma_start3A_93 : memref<1x640xf32, #tpu.memory_space<vmem>> -> memref<640xf32, #tpu.memory_space<vmem>>
      %dma_start3A_95 = tpu.memref_slice %arg8[%run_scoped3A_29, %mul3A_28] : memref<16x10240xf32, #tpu.memory_space<vmem_shared>> -> memref<1x640xf32, #tpu.memory_space<vmem_shared>>
      %dma_start3A_96 = tpu.memref_squeeze %dma_start3A_95 : memref<1x640xf32, #tpu.memory_space<vmem_shared>> -> memref<640xf32, #tpu.memory_space<vmem_shared>>
      tpu.enqueue_dma source(%dma_start3A_96 : memref<640xf32, #tpu.memory_space<vmem_shared>>) target(%dma_start3A_94 : memref<640xf32, #tpu.memory_space<vmem>>) target_semaphore(%run_scoped3A_87 : memref<!tpu.dma_semaphore, #tpu.memory_space<semaphore_mem>>)
      %dma_wait3A = arith.constant 0 : i32
      %dma_wait3A_97 = tpu.memref_slice %arg6[%run_scoped3A_30, %dma_wait3A] : memref<16x640xf32, #tpu.memory_space<vmem>> -> memref<1x640xf32, #tpu.memory_space<vmem>>
      %dma_wait3A_98 = tpu.memref_squeeze %dma_wait3A_97 : memref<1x640xf32, #tpu.memory_space<vmem>> -> memref<640xf32, #tpu.memory_space<vmem>>
      %dma_wait3A_99 = tpu.memref_slice %arg8[%run_scoped3A_29, %mul3A_28] : memref<16x10240xf32, #tpu.memory_space<vmem_shared>> -> memref<1x640xf32, #tpu.memory_space<vmem_shared>>
      %dma_wait3A_100 = tpu.memref_squeeze %dma_wait3A_99 : memref<1x640xf32, #tpu.memory_space<vmem_shared>> -> memref<640xf32, #tpu.memory_space<vmem_shared>>
      %dma_wait3A_101 = arith.constant 0 : i32
      %dma_wait3A_102 = tpu.memref_slice %arg6[%run_scoped3A_30, %dma_wait3A_101] : memref<16x640xf32, #tpu.memory_space<vmem>> -> memref<1x640xf32, #tpu.memory_space<vmem>>
      %dma_wait3A_103 = tpu.memref_squeeze %dma_wait3A_102 : memref<1x640xf32, #tpu.memory_space<vmem>> -> memref<640xf32, #tpu.memory_space<vmem>>
      %dma_wait3A_104 = tpu.memref_slice %arg8[%run_scoped3A_29, %mul3A_28] : memref<16x10240xf32, #tpu.memory_space<vmem_shared>> -> memref<1x640xf32, #tpu.memory_space<vmem_shared>>
      %dma_wait3A_105 = tpu.memref_squeeze %dma_wait3A_104 : memref<1x640xf32, #tpu.memory_space<vmem_shared>> -> memref<640xf32, #tpu.memory_space<vmem_shared>>
      tpu.wait_dma2 semaphore(%run_scoped3A_87 : memref<!tpu.dma_semaphore, #tpu.memory_space<semaphore_mem>>) src(%dma_wait3A_105 : memref<640xf32, #tpu.memory_space<vmem_shared>>) dst(%dma_wait3A_103 : memref<640xf32, #tpu.memory_space<vmem>>)
      tpu.yield
    }) : () -> ()
    %mul3A_31 = arith.constant 640 : i32
    %mul3A_32 = arith.muli %arg1, %mul3A_31 : i32
    %run_scoped3A_33 = arith.constant 4 : i32
    %run_scoped3A_34 = arith.constant 4 : i32
    "tpu.region"() ({
      %run_scoped3A_87 = tpu.sem_alloc : memref<!tpu.dma_semaphore, #tpu.memory_space<semaphore_mem>>
      %dma_start3A = arith.constant 0 : i32
      %dma_start3A_88 = tpu.memref_slice %arg6[%run_scoped3A_34, %dma_start3A] : memref<16x640xf32, #tpu.memory_space<vmem>> -> memref<1x640xf32, #tpu.memory_space<vmem>>
      %dma_start3A_89 = tpu.memref_squeeze %dma_start3A_88 : memref<1x640xf32, #tpu.memory_space<vmem>> -> memref<640xf32, #tpu.memory_space<vmem>>
      %dma_start3A_90 = tpu.memref_slice %arg8[%run_scoped3A_33, %mul3A_32] : memref<16x10240xf32, #tpu.memory_space<vmem_shared>> -> memref<1x640xf32, #tpu.memory_space<vmem_shared>>
      %dma_start3A_91 = tpu.memref_squeeze %dma_start3A_90 : memref<1x640xf32, #tpu.memory_space<vmem_shared>> -> memref<640xf32, #tpu.memory_space<vmem_shared>>
      %dma_start3A_92 = arith.constant 0 : i32
      %dma_start3A_93 = tpu.memref_slice %arg6[%run_scoped3A_34, %dma_start3A_92] : memref<16x640xf32, #tpu.memory_space<vmem>> -> memref<1x640xf32, #tpu.memory_space<vmem>>
      %dma_start3A_94 = tpu.memref_squeeze %dma_start3A_93 : memref<1x640xf32, #tpu.memory_space<vmem>> -> memref<640xf32, #tpu.memory_space<vmem>>
      %dma_start3A_95 = tpu.memref_slice %arg8[%run_scoped3A_33, %mul3A_32] : memref<16x10240xf32, #tpu.memory_space<vmem_shared>> -> memref<1x640xf32, #tpu.memory_space<vmem_shared>>
      %dma_start3A_96 = tpu.memref_squeeze %dma_start3A_95 : memref<1x640xf32, #tpu.memory_space<vmem_shared>> -> memref<640xf32, #tpu.memory_space<vmem_shared>>
      tpu.enqueue_dma source(%dma_start3A_96 : memref<640xf32, #tpu.memory_space<vmem_shared>>) target(%dma_start3A_94 : memref<640xf32, #tpu.memory_space<vmem>>) target_semaphore(%run_scoped3A_87 : memref<!tpu.dma_semaphore, #tpu.memory_space<semaphore_mem>>)
      %dma_wait3A = arith.constant 0 : i32
      %dma_wait3A_97 = tpu.memref_slice %arg6[%run_scoped3A_34, %dma_wait3A] : memref<16x640xf32, #tpu.memory_space<vmem>> -> memref<1x640xf32, #tpu.memory_space<vmem>>
      %dma_wait3A_98 = tpu.memref_squeeze %dma_wait3A_97 : memref<1x640xf32, #tpu.memory_space<vmem>> -> memref<640xf32, #tpu.memory_space<vmem>>
      %dma_wait3A_99 = tpu.memref_slice %arg8[%run_scoped3A_33, %mul3A_32] : memref<16x10240xf32, #tpu.memory_space<vmem_shared>> -> memref<1x640xf32, #tpu.memory_space<vmem_shared>>
      %dma_wait3A_100 = tpu.memref_squeeze %dma_wait3A_99 : memref<1x640xf32, #tpu.memory_space<vmem_shared>> -> memref<640xf32, #tpu.memory_space<vmem_shared>>
      %dma_wait3A_101 = arith.constant 0 : i32
      %dma_wait3A_102 = tpu.memref_slice %arg6[%run_scoped3A_34, %dma_wait3A_101] : memref<16x640xf32, #tpu.memory_space<vmem>> -> memref<1x640xf32, #tpu.memory_space<vmem>>
      %dma_wait3A_103 = tpu.memref_squeeze %dma_wait3A_102 : memref<1x640xf32, #tpu.memory_space<vmem>> -> memref<640xf32, #tpu.memory_space<vmem>>
      %dma_wait3A_104 = tpu.memref_slice %arg8[%run_scoped3A_33, %mul3A_32] : memref<16x10240xf32, #tpu.memory_space<vmem_shared>> -> memref<1x640xf32, #tpu.memory_space<vmem_shared>>
      %dma_wait3A_105 = tpu.memref_squeeze %dma_wait3A_104 : memref<1x640xf32, #tpu.memory_space<vmem_shared>> -> memref<640xf32, #tpu.memory_space<vmem_shared>>
      tpu.wait_dma2 semaphore(%run_scoped3A_87 : memref<!tpu.dma_semaphore, #tpu.memory_space<semaphore_mem>>) src(%dma_wait3A_105 : memref<640xf32, #tpu.memory_space<vmem_shared>>) dst(%dma_wait3A_103 : memref<640xf32, #tpu.memory_space<vmem>>)
      tpu.yield
    }) : () -> ()
    %mul3A_35 = arith.constant 640 : i32
    %mul3A_36 = arith.muli %arg1, %mul3A_35 : i32
    %run_scoped3A_37 = arith.constant 5 : i32
    %run_scoped3A_38 = arith.constant 5 : i32
    "tpu.region"() ({
      %run_scoped3A_87 = tpu.sem_alloc : memref<!tpu.dma_semaphore, #tpu.memory_space<semaphore_mem>>
      %dma_start3A = arith.constant 0 : i32
      %dma_start3A_88 = tpu.memref_slice %arg6[%run_scoped3A_38, %dma_start3A] : memref<16x640xf32, #tpu.memory_space<vmem>> -> memref<1x640xf32, #tpu.memory_space<vmem>>
      %dma_start3A_89 = tpu.memref_squeeze %dma_start3A_88 : memref<1x640xf32, #tpu.memory_space<vmem>> -> memref<640xf32, #tpu.memory_space<vmem>>
      %dma_start3A_90 = tpu.memref_slice %arg8[%run_scoped3A_37, %mul3A_36] : memref<16x10240xf32, #tpu.memory_space<vmem_shared>> -> memref<1x640xf32, #tpu.memory_space<vmem_shared>>
      %dma_start3A_91 = tpu.memref_squeeze %dma_start3A_90 : memref<1x640xf32, #tpu.memory_space<vmem_shared>> -> memref<640xf32, #tpu.memory_space<vmem_shared>>
      %dma_start3A_92 = arith.constant 0 : i32
      %dma_start3A_93 = tpu.memref_slice %arg6[%run_scoped3A_38, %dma_start3A_92] : memref<16x640xf32, #tpu.memory_space<vmem>> -> memref<1x640xf32, #tpu.memory_space<vmem>>
      %dma_start3A_94 = tpu.memref_squeeze %dma_start3A_93 : memref<1x640xf32, #tpu.memory_space<vmem>> -> memref<640xf32, #tpu.memory_space<vmem>>
      %dma_start3A_95 = tpu.memref_slice %arg8[%run_scoped3A_37, %mul3A_36] : memref<16x10240xf32, #tpu.memory_space<vmem_shared>> -> memref<1x640xf32, #tpu.memory_space<vmem_shared>>
      %dma_start3A_96 = tpu.memref_squeeze %dma_start3A_95 : memref<1x640xf32, #tpu.memory_space<vmem_shared>> -> memref<640xf32, #tpu.memory_space<vmem_shared>>
      tpu.enqueue_dma source(%dma_start3A_96 : memref<640xf32, #tpu.memory_space<vmem_shared>>) target(%dma_start3A_94 : memref<640xf32, #tpu.memory_space<vmem>>) target_semaphore(%run_scoped3A_87 : memref<!tpu.dma_semaphore, #tpu.memory_space<semaphore_mem>>)
      %dma_wait3A = arith.constant 0 : i32
      %dma_wait3A_97 = tpu.memref_slice %arg6[%run_scoped3A_38, %dma_wait3A] : memref<16x640xf32, #tpu.memory_space<vmem>> -> memref<1x640xf32, #tpu.memory_space<vmem>>
      %dma_wait3A_98 = tpu.memref_squeeze %dma_wait3A_97 : memref<1x640xf32, #tpu.memory_space<vmem>> -> memref<640xf32, #tpu.memory_space<vmem>>
      %dma_wait3A_99 = tpu.memref_slice %arg8[%run_scoped3A_37, %mul3A_36] : memref<16x10240xf32, #tpu.memory_space<vmem_shared>> -> memref<1x640xf32, #tpu.memory_space<vmem_shared>>
      %dma_wait3A_100 = tpu.memref_squeeze %dma_wait3A_99 : memref<1x640xf32, #tpu.memory_space<vmem_shared>> -> memref<640xf32, #tpu.memory_space<vmem_shared>>
      %dma_wait3A_101 = arith.constant 0 : i32
      %dma_wait3A_102 = tpu.memref_slice %arg6[%run_scoped3A_38, %dma_wait3A_101] : memref<16x640xf32, #tpu.memory_space<vmem>> -> memref<1x640xf32, #tpu.memory_space<vmem>>
      %dma_wait3A_103 = tpu.memref_squeeze %dma_wait3A_102 : memref<1x640xf32, #tpu.memory_space<vmem>> -> memref<640xf32, #tpu.memory_space<vmem>>
      %dma_wait3A_104 = tpu.memref_slice %arg8[%run_scoped3A_37, %mul3A_36] : memref<16x10240xf32, #tpu.memory_space<vmem_shared>> -> memref<1x640xf32, #tpu.memory_space<vmem_shared>>
      %dma_wait3A_105 = tpu.memref_squeeze %dma_wait3A_104 : memref<1x640xf32, #tpu.memory_space<vmem_shared>> -> memref<640xf32, #tpu.memory_space<vmem_shared>>
      tpu.wait_dma2 semaphore(%run_scoped3A_87 : memref<!tpu.dma_semaphore, #tpu.memory_space<semaphore_mem>>) src(%dma_wait3A_105 : memref<640xf32, #tpu.memory_space<vmem_shared>>) dst(%dma_wait3A_103 : memref<640xf32, #tpu.memory_space<vmem>>)
      tpu.yield
    }) : () -> ()
    %mul3A_39 = arith.constant 640 : i32
    %mul3A_40 = arith.muli %arg1, %mul3A_39 : i32
    %run_scoped3A_41 = arith.constant 6 : i32
    %run_scoped3A_42 = arith.constant 6 : i32
    "tpu.region"() ({
      %run_scoped3A_87 = tpu.sem_alloc : memref<!tpu.dma_semaphore, #tpu.memory_space<semaphore_mem>>
      %dma_start3A = arith.constant 0 : i32
      %dma_start3A_88 = tpu.memref_slice %arg6[%run_scoped3A_42, %dma_start3A] : memref<16x640xf32, #tpu.memory_space<vmem>> -> memref<1x640xf32, #tpu.memory_space<vmem>>
      %dma_start3A_89 = tpu.memref_squeeze %dma_start3A_88 : memref<1x640xf32, #tpu.memory_space<vmem>> -> memref<640xf32, #tpu.memory_space<vmem>>
      %dma_start3A_90 = tpu.memref_slice %arg8[%run_scoped3A_41, %mul3A_40] : memref<16x10240xf32, #tpu.memory_space<vmem_shared>> -> memref<1x640xf32, #tpu.memory_space<vmem_shared>>
      %dma_start3A_91 = tpu.memref_squeeze %dma_start3A_90 : memref<1x640xf32, #tpu.memory_space<vmem_shared>> -> memref<640xf32, #tpu.memory_space<vmem_shared>>
      %dma_start3A_92 = arith.constant 0 : i32
      %dma_start3A_93 = tpu.memref_slice %arg6[%run_scoped3A_42, %dma_start3A_92] : memref<16x640xf32, #tpu.memory_space<vmem>> -> memref<1x640xf32, #tpu.memory_space<vmem>>
      %dma_start3A_94 = tpu.memref_squeeze %dma_start3A_93 : memref<1x640xf32, #tpu.memory_space<vmem>> -> memref<640xf32, #tpu.memory_space<vmem>>
      %dma_start3A_95 = tpu.memref_slice %arg8[%run_scoped3A_41, %mul3A_40] : memref<16x10240xf32, #tpu.memory_space<vmem_shared>> -> memref<1x640xf32, #tpu.memory_space<vmem_shared>>
      %dma_start3A_96 = tpu.memref_squeeze %dma_start3A_95 : memref<1x640xf32, #tpu.memory_space<vmem_shared>> -> memref<640xf32, #tpu.memory_space<vmem_shared>>
      tpu.enqueue_dma source(%dma_start3A_96 : memref<640xf32, #tpu.memory_space<vmem_shared>>) target(%dma_start3A_94 : memref<640xf32, #tpu.memory_space<vmem>>) target_semaphore(%run_scoped3A_87 : memref<!tpu.dma_semaphore, #tpu.memory_space<semaphore_mem>>)
      %dma_wait3A = arith.constant 0 : i32
      %dma_wait3A_97 = tpu.memref_slice %arg6[%run_scoped3A_42, %dma_wait3A] : memref<16x640xf32, #tpu.memory_space<vmem>> -> memref<1x640xf32, #tpu.memory_space<vmem>>
      %dma_wait3A_98 = tpu.memref_squeeze %dma_wait3A_97 : memref<1x640xf32, #tpu.memory_space<vmem>> -> memref<640xf32, #tpu.memory_space<vmem>>
      %dma_wait3A_99 = tpu.memref_slice %arg8[%run_scoped3A_41, %mul3A_40] : memref<16x10240xf32, #tpu.memory_space<vmem_shared>> -> memref<1x640xf32, #tpu.memory_space<vmem_shared>>
      %dma_wait3A_100 = tpu.memref_squeeze %dma_wait3A_99 : memref<1x640xf32, #tpu.memory_space<vmem_shared>> -> memref<640xf32, #tpu.memory_space<vmem_shared>>
      %dma_wait3A_101 = arith.constant 0 : i32
      %dma_wait3A_102 = tpu.memref_slice %arg6[%run_scoped3A_42, %dma_wait3A_101] : memref<16x640xf32, #tpu.memory_space<vmem>> -> memref<1x640xf32, #tpu.memory_space<vmem>>
      %dma_wait3A_103 = tpu.memref_squeeze %dma_wait3A_102 : memref<1x640xf32, #tpu.memory_space<vmem>> -> memref<640xf32, #tpu.memory_space<vmem>>
      %dma_wait3A_104 = tpu.memref_slice %arg8[%run_scoped3A_41, %mul3A_40] : memref<16x10240xf32, #tpu.memory_space<vmem_shared>> -> memref<1x640xf32, #tpu.memory_space<vmem_shared>>
      %dma_wait3A_105 = tpu.memref_squeeze %dma_wait3A_104 : memref<1x640xf32, #tpu.memory_space<vmem_shared>> -> memref<640xf32, #tpu.memory_space<vmem_shared>>
      tpu.wait_dma2 semaphore(%run_scoped3A_87 : memref<!tpu.dma_semaphore, #tpu.memory_space<semaphore_mem>>) src(%dma_wait3A_105 : memref<640xf32, #tpu.memory_space<vmem_shared>>) dst(%dma_wait3A_103 : memref<640xf32, #tpu.memory_space<vmem>>)
      tpu.yield
    }) : () -> ()
    %mul3A_43 = arith.constant 640 : i32
    %mul3A_44 = arith.muli %arg1, %mul3A_43 : i32
    %run_scoped3A_45 = arith.constant 7 : i32
    %run_scoped3A_46 = arith.constant 7 : i32
    "tpu.region"() ({
      %run_scoped3A_87 = tpu.sem_alloc : memref<!tpu.dma_semaphore, #tpu.memory_space<semaphore_mem>>
      %dma_start3A = arith.constant 0 : i32
      %dma_start3A_88 = tpu.memref_slice %arg6[%run_scoped3A_46, %dma_start3A] : memref<16x640xf32, #tpu.memory_space<vmem>> -> memref<1x640xf32, #tpu.memory_space<vmem>>
      %dma_start3A_89 = tpu.memref_squeeze %dma_start3A_88 : memref<1x640xf32, #tpu.memory_space<vmem>> -> memref<640xf32, #tpu.memory_space<vmem>>
      %dma_start3A_90 = tpu.memref_slice %arg8[%run_scoped3A_45, %mul3A_44] : memref<16x10240xf32, #tpu.memory_space<vmem_shared>> -> memref<1x640xf32, #tpu.memory_space<vmem_shared>>
      %dma_start3A_91 = tpu.memref_squeeze %dma_start3A_90 : memref<1x640xf32, #tpu.memory_space<vmem_shared>> -> memref<640xf32, #tpu.memory_space<vmem_shared>>
      %dma_start3A_92 = arith.constant 0 : i32
      %dma_start3A_93 = tpu.memref_slice %arg6[%run_scoped3A_46, %dma_start3A_92] : memref<16x640xf32, #tpu.memory_space<vmem>> -> memref<1x640xf32, #tpu.memory_space<vmem>>
      %dma_start3A_94 = tpu.memref_squeeze %dma_start3A_93 : memref<1x640xf32, #tpu.memory_space<vmem>> -> memref<640xf32, #tpu.memory_space<vmem>>
      %dma_start3A_95 = tpu.memref_slice %arg8[%run_scoped3A_45, %mul3A_44] : memref<16x10240xf32, #tpu.memory_space<vmem_shared>> -> memref<1x640xf32, #tpu.memory_space<vmem_shared>>
      %dma_start3A_96 = tpu.memref_squeeze %dma_start3A_95 : memref<1x640xf32, #tpu.memory_space<vmem_shared>> -> memref<640xf32, #tpu.memory_space<vmem_shared>>
      tpu.enqueue_dma source(%dma_start3A_96 : memref<640xf32, #tpu.memory_space<vmem_shared>>) target(%dma_start3A_94 : memref<640xf32, #tpu.memory_space<vmem>>) target_semaphore(%run_scoped3A_87 : memref<!tpu.dma_semaphore, #tpu.memory_space<semaphore_mem>>)
      %dma_wait3A = arith.constant 0 : i32
      %dma_wait3A_97 = tpu.memref_slice %arg6[%run_scoped3A_46, %dma_wait3A] : memref<16x640xf32, #tpu.memory_space<vmem>> -> memref<1x640xf32, #tpu.memory_space<vmem>>
      %dma_wait3A_98 = tpu.memref_squeeze %dma_wait3A_97 : memref<1x640xf32, #tpu.memory_space<vmem>> -> memref<640xf32, #tpu.memory_space<vmem>>
      %dma_wait3A_99 = tpu.memref_slice %arg8[%run_scoped3A_45, %mul3A_44] : memref<16x10240xf32, #tpu.memory_space<vmem_shared>> -> memref<1x640xf32, #tpu.memory_space<vmem_shared>>
      %dma_wait3A_100 = tpu.memref_squeeze %dma_wait3A_99 : memref<1x640xf32, #tpu.memory_space<vmem_shared>> -> memref<640xf32, #tpu.memory_space<vmem_shared>>
      %dma_wait3A_101 = arith.constant 0 : i32
      %dma_wait3A_102 = tpu.memref_slice %arg6[%run_scoped3A_46, %dma_wait3A_101] : memref<16x640xf32, #tpu.memory_space<vmem>> -> memref<1x640xf32, #tpu.memory_space<vmem>>
      %dma_wait3A_103 = tpu.memref_squeeze %dma_wait3A_102 : memref<1x640xf32, #tpu.memory_space<vmem>> -> memref<640xf32, #tpu.memory_space<vmem>>
      %dma_wait3A_104 = tpu.memref_slice %arg8[%run_scoped3A_45, %mul3A_44] : memref<16x10240xf32, #tpu.memory_space<vmem_shared>> -> memref<1x640xf32, #tpu.memory_space<vmem_shared>>
      %dma_wait3A_105 = tpu.memref_squeeze %dma_wait3A_104 : memref<1x640xf32, #tpu.memory_space<vmem_shared>> -> memref<640xf32, #tpu.memory_space<vmem_shared>>
      tpu.wait_dma2 semaphore(%run_scoped3A_87 : memref<!tpu.dma_semaphore, #tpu.memory_space<semaphore_mem>>) src(%dma_wait3A_105 : memref<640xf32, #tpu.memory_space<vmem_shared>>) dst(%dma_wait3A_103 : memref<640xf32, #tpu.memory_space<vmem>>)
      tpu.yield
    }) : () -> ()
    %mul3A_47 = arith.constant 640 : i32
    %mul3A_48 = arith.muli %arg1, %mul3A_47 : i32
    %run_scoped3A_49 = arith.constant 8 : i32
    %run_scoped3A_50 = arith.constant 8 : i32
    "tpu.region"() ({
      %run_scoped3A_87 = tpu.sem_alloc : memref<!tpu.dma_semaphore, #tpu.memory_space<semaphore_mem>>
      %dma_start3A = arith.constant 0 : i32
      %dma_start3A_88 = tpu.memref_slice %arg6[%run_scoped3A_50, %dma_start3A] : memref<16x640xf32, #tpu.memory_space<vmem>> -> memref<1x640xf32, #tpu.memory_space<vmem>>
      %dma_start3A_89 = tpu.memref_squeeze %dma_start3A_88 : memref<1x640xf32, #tpu.memory_space<vmem>> -> memref<640xf32, #tpu.memory_space<vmem>>
      %dma_start3A_90 = tpu.memref_slice %arg8[%run_scoped3A_49, %mul3A_48] : memref<16x10240xf32, #tpu.memory_space<vmem_shared>> -> memref<1x640xf32, #tpu.memory_space<vmem_shared>>
      %dma_start3A_91 = tpu.memref_squeeze %dma_start3A_90 : memref<1x640xf32, #tpu.memory_space<vmem_shared>> -> memref<640xf32, #tpu.memory_space<vmem_shared>>
      %dma_start3A_92 = arith.constant 0 : i32
      %dma_start3A_93 = tpu.memref_slice %arg6[%run_scoped3A_50, %dma_start3A_92] : memref<16x640xf32, #tpu.memory_space<vmem>> -> memref<1x640xf32, #tpu.memory_space<vmem>>
      %dma_start3A_94 = tpu.memref_squeeze %dma_start3A_93 : memref<1x640xf32, #tpu.memory_space<vmem>> -> memref<640xf32, #tpu.memory_space<vmem>>
      %dma_start3A_95 = tpu.memref_slice %arg8[%run_scoped3A_49, %mul3A_48] : memref<16x10240xf32, #tpu.memory_space<vmem_shared>> -> memref<1x640xf32, #tpu.memory_space<vmem_shared>>
      %dma_start3A_96 = tpu.memref_squeeze %dma_start3A_95 : memref<1x640xf32, #tpu.memory_space<vmem_shared>> -> memref<640xf32, #tpu.memory_space<vmem_shared>>
      tpu.enqueue_dma source(%dma_start3A_96 : memref<640xf32, #tpu.memory_space<vmem_shared>>) target(%dma_start3A_94 : memref<640xf32, #tpu.memory_space<vmem>>) target_semaphore(%run_scoped3A_87 : memref<!tpu.dma_semaphore, #tpu.memory_space<semaphore_mem>>)
      %dma_wait3A = arith.constant 0 : i32
      %dma_wait3A_97 = tpu.memref_slice %arg6[%run_scoped3A_50, %dma_wait3A] : memref<16x640xf32, #tpu.memory_space<vmem>> -> memref<1x640xf32, #tpu.memory_space<vmem>>
      %dma_wait3A_98 = tpu.memref_squeeze %dma_wait3A_97 : memref<1x640xf32, #tpu.memory_space<vmem>> -> memref<640xf32, #tpu.memory_space<vmem>>
      %dma_wait3A_99 = tpu.memref_slice %arg8[%run_scoped3A_49, %mul3A_48] : memref<16x10240xf32, #tpu.memory_space<vmem_shared>> -> memref<1x640xf32, #tpu.memory_space<vmem_shared>>
      %dma_wait3A_100 = tpu.memref_squeeze %dma_wait3A_99 : memref<1x640xf32, #tpu.memory_space<vmem_shared>> -> memref<640xf32, #tpu.memory_space<vmem_shared>>
      %dma_wait3A_101 = arith.constant 0 : i32
      %dma_wait3A_102 = tpu.memref_slice %arg6[%run_scoped3A_50, %dma_wait3A_101] : memref<16x640xf32, #tpu.memory_space<vmem>> -> memref<1x640xf32, #tpu.memory_space<vmem>>
      %dma_wait3A_103 = tpu.memref_squeeze %dma_wait3A_102 : memref<1x640xf32, #tpu.memory_space<vmem>> -> memref<640xf32, #tpu.memory_space<vmem>>
      %dma_wait3A_104 = tpu.memref_slice %arg8[%run_scoped3A_49, %mul3A_48] : memref<16x10240xf32, #tpu.memory_space<vmem_shared>> -> memref<1x640xf32, #tpu.memory_space<vmem_shared>>
      %dma_wait3A_105 = tpu.memref_squeeze %dma_wait3A_104 : memref<1x640xf32, #tpu.memory_space<vmem_shared>> -> memref<640xf32, #tpu.memory_space<vmem_shared>>
      tpu.wait_dma2 semaphore(%run_scoped3A_87 : memref<!tpu.dma_semaphore, #tpu.memory_space<semaphore_mem>>) src(%dma_wait3A_105 : memref<640xf32, #tpu.memory_space<vmem_shared>>) dst(%dma_wait3A_103 : memref<640xf32, #tpu.memory_space<vmem>>)
      tpu.yield
    }) : () -> ()
    %mul3A_51 = arith.constant 640 : i32
    %mul3A_52 = arith.muli %arg1, %mul3A_51 : i32
    %run_scoped3A_53 = arith.constant 9 : i32
    %run_scoped3A_54 = arith.constant 9 : i32
    "tpu.region"() ({
      %run_scoped3A_87 = tpu.sem_alloc : memref<!tpu.dma_semaphore, #tpu.memory_space<semaphore_mem>>
      %dma_start3A = arith.constant 0 : i32
      %dma_start3A_88 = tpu.memref_slice %arg6[%run_scoped3A_54, %dma_start3A] : memref<16x640xf32, #tpu.memory_space<vmem>> -> memref<1x640xf32, #tpu.memory_space<vmem>>
      %dma_start3A_89 = tpu.memref_squeeze %dma_start3A_88 : memref<1x640xf32, #tpu.memory_space<vmem>> -> memref<640xf32, #tpu.memory_space<vmem>>
      %dma_start3A_90 = tpu.memref_slice %arg8[%run_scoped3A_53, %mul3A_52] : memref<16x10240xf32, #tpu.memory_space<vmem_shared>> -> memref<1x640xf32, #tpu.memory_space<vmem_shared>>
      %dma_start3A_91 = tpu.memref_squeeze %dma_start3A_90 : memref<1x640xf32, #tpu.memory_space<vmem_shared>> -> memref<640xf32, #tpu.memory_space<vmem_shared>>
      %dma_start3A_92 = arith.constant 0 : i32
      %dma_start3A_93 = tpu.memref_slice %arg6[%run_scoped3A_54, %dma_start3A_92] : memref<16x640xf32, #tpu.memory_space<vmem>> -> memref<1x640xf32, #tpu.memory_space<vmem>>
      %dma_start3A_94 = tpu.memref_squeeze %dma_start3A_93 : memref<1x640xf32, #tpu.memory_space<vmem>> -> memref<640xf32, #tpu.memory_space<vmem>>
      %dma_start3A_95 = tpu.memref_slice %arg8[%run_scoped3A_53, %mul3A_52] : memref<16x10240xf32, #tpu.memory_space<vmem_shared>> -> memref<1x640xf32, #tpu.memory_space<vmem_shared>>
      %dma_start3A_96 = tpu.memref_squeeze %dma_start3A_95 : memref<1x640xf32, #tpu.memory_space<vmem_shared>> -> memref<640xf32, #tpu.memory_space<vmem_shared>>
      tpu.enqueue_dma source(%dma_start3A_96 : memref<640xf32, #tpu.memory_space<vmem_shared>>) target(%dma_start3A_94 : memref<640xf32, #tpu.memory_space<vmem>>) target_semaphore(%run_scoped3A_87 : memref<!tpu.dma_semaphore, #tpu.memory_space<semaphore_mem>>)
      %dma_wait3A = arith.constant 0 : i32
      %dma_wait3A_97 = tpu.memref_slice %arg6[%run_scoped3A_54, %dma_wait3A] : memref<16x640xf32, #tpu.memory_space<vmem>> -> memref<1x640xf32, #tpu.memory_space<vmem>>
      %dma_wait3A_98 = tpu.memref_squeeze %dma_wait3A_97 : memref<1x640xf32, #tpu.memory_space<vmem>> -> memref<640xf32, #tpu.memory_space<vmem>>
      %dma_wait3A_99 = tpu.memref_slice %arg8[%run_scoped3A_53, %mul3A_52] : memref<16x10240xf32, #tpu.memory_space<vmem_shared>> -> memref<1x640xf32, #tpu.memory_space<vmem_shared>>
      %dma_wait3A_100 = tpu.memref_squeeze %dma_wait3A_99 : memref<1x640xf32, #tpu.memory_space<vmem_shared>> -> memref<640xf32, #tpu.memory_space<vmem_shared>>
      %dma_wait3A_101 = arith.constant 0 : i32
      %dma_wait3A_102 = tpu.memref_slice %arg6[%run_scoped3A_54, %dma_wait3A_101] : memref<16x640xf32, #tpu.memory_space<vmem>> -> memref<1x640xf32, #tpu.memory_space<vmem>>
      %dma_wait3A_103 = tpu.memref_squeeze %dma_wait3A_102 : memref<1x640xf32, #tpu.memory_space<vmem>> -> memref<640xf32, #tpu.memory_space<vmem>>
      %dma_wait3A_104 = tpu.memref_slice %arg8[%run_scoped3A_53, %mul3A_52] : memref<16x10240xf32, #tpu.memory_space<vmem_shared>> -> memref<1x640xf32, #tpu.memory_space<vmem_shared>>
      %dma_wait3A_105 = tpu.memref_squeeze %dma_wait3A_104 : memref<1x640xf32, #tpu.memory_space<vmem_shared>> -> memref<640xf32, #tpu.memory_space<vmem_shared>>
      tpu.wait_dma2 semaphore(%run_scoped3A_87 : memref<!tpu.dma_semaphore, #tpu.memory_space<semaphore_mem>>) src(%dma_wait3A_105 : memref<640xf32, #tpu.memory_space<vmem_shared>>) dst(%dma_wait3A_103 : memref<640xf32, #tpu.memory_space<vmem>>)
      tpu.yield
    }) : () -> ()
    %mul3A_55 = arith.constant 640 : i32
    %mul3A_56 = arith.muli %arg1, %mul3A_55 : i32
    %run_scoped3A_57 = arith.constant 10 : i32
    %run_scoped3A_58 = arith.constant 10 : i32
    "tpu.region"() ({
      %run_scoped3A_87 = tpu.sem_alloc : memref<!tpu.dma_semaphore, #tpu.memory_space<semaphore_mem>>
      %dma_start3A = arith.constant 0 : i32
      %dma_start3A_88 = tpu.memref_slice %arg6[%run_scoped3A_58, %dma_start3A] : memref<16x640xf32, #tpu.memory_space<vmem>> -> memref<1x640xf32, #tpu.memory_space<vmem>>
      %dma_start3A_89 = tpu.memref_squeeze %dma_start3A_88 : memref<1x640xf32, #tpu.memory_space<vmem>> -> memref<640xf32, #tpu.memory_space<vmem>>
      %dma_start3A_90 = tpu.memref_slice %arg8[%run_scoped3A_57, %mul3A_56] : memref<16x10240xf32, #tpu.memory_space<vmem_shared>> -> memref<1x640xf32, #tpu.memory_space<vmem_shared>>
      %dma_start3A_91 = tpu.memref_squeeze %dma_start3A_90 : memref<1x640xf32, #tpu.memory_space<vmem_shared>> -> memref<640xf32, #tpu.memory_space<vmem_shared>>
      %dma_start3A_92 = arith.constant 0 : i32
      %dma_start3A_93 = tpu.memref_slice %arg6[%run_scoped3A_58, %dma_start3A_92] : memref<16x640xf32, #tpu.memory_space<vmem>> -> memref<1x640xf32, #tpu.memory_space<vmem>>
      %dma_start3A_94 = tpu.memref_squeeze %dma_start3A_93 : memref<1x640xf32, #tpu.memory_space<vmem>> -> memref<640xf32, #tpu.memory_space<vmem>>
      %dma_start3A_95 = tpu.memref_slice %arg8[%run_scoped3A_57, %mul3A_56] : memref<16x10240xf32, #tpu.memory_space<vmem_shared>> -> memref<1x640xf32, #tpu.memory_space<vmem_shared>>
      %dma_start3A_96 = tpu.memref_squeeze %dma_start3A_95 : memref<1x640xf32, #tpu.memory_space<vmem_shared>> -> memref<640xf32, #tpu.memory_space<vmem_shared>>
      tpu.enqueue_dma source(%dma_start3A_96 : memref<640xf32, #tpu.memory_space<vmem_shared>>) target(%dma_start3A_94 : memref<640xf32, #tpu.memory_space<vmem>>) target_semaphore(%run_scoped3A_87 : memref<!tpu.dma_semaphore, #tpu.memory_space<semaphore_mem>>)
      %dma_wait3A = arith.constant 0 : i32
      %dma_wait3A_97 = tpu.memref_slice %arg6[%run_scoped3A_58, %dma_wait3A] : memref<16x640xf32, #tpu.memory_space<vmem>> -> memref<1x640xf32, #tpu.memory_space<vmem>>
      %dma_wait3A_98 = tpu.memref_squeeze %dma_wait3A_97 : memref<1x640xf32, #tpu.memory_space<vmem>> -> memref<640xf32, #tpu.memory_space<vmem>>
      %dma_wait3A_99 = tpu.memref_slice %arg8[%run_scoped3A_57, %mul3A_56] : memref<16x10240xf32, #tpu.memory_space<vmem_shared>> -> memref<1x640xf32, #tpu.memory_space<vmem_shared>>
      %dma_wait3A_100 = tpu.memref_squeeze %dma_wait3A_99 : memref<1x640xf32, #tpu.memory_space<vmem_shared>> -> memref<640xf32, #tpu.memory_space<vmem_shared>>
      %dma_wait3A_101 = arith.constant 0 : i32
      %dma_wait3A_102 = tpu.memref_slice %arg6[%run_scoped3A_58, %dma_wait3A_101] : memref<16x640xf32, #tpu.memory_space<vmem>> -> memref<1x640xf32, #tpu.memory_space<vmem>>
      %dma_wait3A_103 = tpu.memref_squeeze %dma_wait3A_102 : memref<1x640xf32, #tpu.memory_space<vmem>> -> memref<640xf32, #tpu.memory_space<vmem>>
      %dma_wait3A_104 = tpu.memref_slice %arg8[%run_scoped3A_57, %mul3A_56] : memref<16x10240xf32, #tpu.memory_space<vmem_shared>> -> memref<1x640xf32, #tpu.memory_space<vmem_shared>>
      %dma_wait3A_105 = tpu.memref_squeeze %dma_wait3A_104 : memref<1x640xf32, #tpu.memory_space<vmem_shared>> -> memref<640xf32, #tpu.memory_space<vmem_shared>>
      tpu.wait_dma2 semaphore(%run_scoped3A_87 : memref<!tpu.dma_semaphore, #tpu.memory_space<semaphore_mem>>) src(%dma_wait3A_105 : memref<640xf32, #tpu.memory_space<vmem_shared>>) dst(%dma_wait3A_103 : memref<640xf32, #tpu.memory_space<vmem>>)
      tpu.yield
    }) : () -> ()
    %mul3A_59 = arith.constant 640 : i32
    %mul3A_60 = arith.muli %arg1, %mul3A_59 : i32
    %run_scoped3A_61 = arith.constant 11 : i32
    %run_scoped3A_62 = arith.constant 11 : i32
    "tpu.region"() ({
      %run_scoped3A_87 = tpu.sem_alloc : memref<!tpu.dma_semaphore, #tpu.memory_space<semaphore_mem>>
      %dma_start3A = arith.constant 0 : i32
      %dma_start3A_88 = tpu.memref_slice %arg6[%run_scoped3A_62, %dma_start3A] : memref<16x640xf32, #tpu.memory_space<vmem>> -> memref<1x640xf32, #tpu.memory_space<vmem>>
      %dma_start3A_89 = tpu.memref_squeeze %dma_start3A_88 : memref<1x640xf32, #tpu.memory_space<vmem>> -> memref<640xf32, #tpu.memory_space<vmem>>
      %dma_start3A_90 = tpu.memref_slice %arg8[%run_scoped3A_61, %mul3A_60] : memref<16x10240xf32, #tpu.memory_space<vmem_shared>> -> memref<1x640xf32, #tpu.memory_space<vmem_shared>>
      %dma_start3A_91 = tpu.memref_squeeze %dma_start3A_90 : memref<1x640xf32, #tpu.memory_space<vmem_shared>> -> memref<640xf32, #tpu.memory_space<vmem_shared>>
      %dma_start3A_92 = arith.constant 0 : i32
      %dma_start3A_93 = tpu.memref_slice %arg6[%run_scoped3A_62, %dma_start3A_92] : memref<16x640xf32, #tpu.memory_space<vmem>> -> memref<1x640xf32, #tpu.memory_space<vmem>>
      %dma_start3A_94 = tpu.memref_squeeze %dma_start3A_93 : memref<1x640xf32, #tpu.memory_space<vmem>> -> memref<640xf32, #tpu.memory_space<vmem>>
      %dma_start3A_95 = tpu.memref_slice %arg8[%run_scoped3A_61, %mul3A_60] : memref<16x10240xf32, #tpu.memory_space<vmem_shared>> -> memref<1x640xf32, #tpu.memory_space<vmem_shared>>
      %dma_start3A_96 = tpu.memref_squeeze %dma_start3A_95 : memref<1x640xf32, #tpu.memory_space<vmem_shared>> -> memref<640xf32, #tpu.memory_space<vmem_shared>>
      tpu.enqueue_dma source(%dma_start3A_96 : memref<640xf32, #tpu.memory_space<vmem_shared>>) target(%dma_start3A_94 : memref<640xf32, #tpu.memory_space<vmem>>) target_semaphore(%run_scoped3A_87 : memref<!tpu.dma_semaphore, #tpu.memory_space<semaphore_mem>>)
      %dma_wait3A = arith.constant 0 : i32
      %dma_wait3A_97 = tpu.memref_slice %arg6[%run_scoped3A_62, %dma_wait3A] : memref<16x640xf32, #tpu.memory_space<vmem>> -> memref<1x640xf32, #tpu.memory_space<vmem>>
      %dma_wait3A_98 = tpu.memref_squeeze %dma_wait3A_97 : memref<1x640xf32, #tpu.memory_space<vmem>> -> memref<640xf32, #tpu.memory_space<vmem>>
      %dma_wait3A_99 = tpu.memref_slice %arg8[%run_scoped3A_61, %mul3A_60] : memref<16x10240xf32, #tpu.memory_space<vmem_shared>> -> memref<1x640xf32, #tpu.memory_space<vmem_shared>>
      %dma_wait3A_100 = tpu.memref_squeeze %dma_wait3A_99 : memref<1x640xf32, #tpu.memory_space<vmem_shared>> -> memref<640xf32, #tpu.memory_space<vmem_shared>>
      %dma_wait3A_101 = arith.constant 0 : i32
      %dma_wait3A_102 = tpu.memref_slice %arg6[%run_scoped3A_62, %dma_wait3A_101] : memref<16x640xf32, #tpu.memory_space<vmem>> -> memref<1x640xf32, #tpu.memory_space<vmem>>
      %dma_wait3A_103 = tpu.memref_squeeze %dma_wait3A_102 : memref<1x640xf32, #tpu.memory_space<vmem>> -> memref<640xf32, #tpu.memory_space<vmem>>
      %dma_wait3A_104 = tpu.memref_slice %arg8[%run_scoped3A_61, %mul3A_60] : memref<16x10240xf32, #tpu.memory_space<vmem_shared>> -> memref<1x640xf32, #tpu.memory_space<vmem_shared>>
      %dma_wait3A_105 = tpu.memref_squeeze %dma_wait3A_104 : memref<1x640xf32, #tpu.memory_space<vmem_shared>> -> memref<640xf32, #tpu.memory_space<vmem_shared>>
      tpu.wait_dma2 semaphore(%run_scoped3A_87 : memref<!tpu.dma_semaphore, #tpu.memory_space<semaphore_mem>>) src(%dma_wait3A_105 : memref<640xf32, #tpu.memory_space<vmem_shared>>) dst(%dma_wait3A_103 : memref<640xf32, #tpu.memory_space<vmem>>)
      tpu.yield
    }) : () -> ()
    %mul3A_63 = arith.constant 640 : i32
    %mul3A_64 = arith.muli %arg1, %mul3A_63 : i32
    %run_scoped3A_65 = arith.constant 12 : i32
    %run_scoped3A_66 = arith.constant 12 : i32
    "tpu.region"() ({
      %run_scoped3A_87 = tpu.sem_alloc : memref<!tpu.dma_semaphore, #tpu.memory_space<semaphore_mem>>
      %dma_start3A = arith.constant 0 : i32
      %dma_start3A_88 = tpu.memref_slice %arg6[%run_scoped3A_66, %dma_start3A] : memref<16x640xf32, #tpu.memory_space<vmem>> -> memref<1x640xf32, #tpu.memory_space<vmem>>
      %dma_start3A_89 = tpu.memref_squeeze %dma_start3A_88 : memref<1x640xf32, #tpu.memory_space<vmem>> -> memref<640xf32, #tpu.memory_space<vmem>>
      %dma_start3A_90 = tpu.memref_slice %arg8[%run_scoped3A_65, %mul3A_64] : memref<16x10240xf32, #tpu.memory_space<vmem_shared>> -> memref<1x640xf32, #tpu.memory_space<vmem_shared>>
      %dma_start3A_91 = tpu.memref_squeeze %dma_start3A_90 : memref<1x640xf32, #tpu.memory_space<vmem_shared>> -> memref<640xf32, #tpu.memory_space<vmem_shared>>
      %dma_start3A_92 = arith.constant 0 : i32
      %dma_start3A_93 = tpu.memref_slice %arg6[%run_scoped3A_66, %dma_start3A_92] : memref<16x640xf32, #tpu.memory_space<vmem>> -> memref<1x640xf32, #tpu.memory_space<vmem>>
      %dma_start3A_94 = tpu.memref_squeeze %dma_start3A_93 : memref<1x640xf32, #tpu.memory_space<vmem>> -> memref<640xf32, #tpu.memory_space<vmem>>
      %dma_start3A_95 = tpu.memref_slice %arg8[%run_scoped3A_65, %mul3A_64] : memref<16x10240xf32, #tpu.memory_space<vmem_shared>> -> memref<1x640xf32, #tpu.memory_space<vmem_shared>>
      %dma_start3A_96 = tpu.memref_squeeze %dma_start3A_95 : memref<1x640xf32, #tpu.memory_space<vmem_shared>> -> memref<640xf32, #tpu.memory_space<vmem_shared>>
      tpu.enqueue_dma source(%dma_start3A_96 : memref<640xf32, #tpu.memory_space<vmem_shared>>) target(%dma_start3A_94 : memref<640xf32, #tpu.memory_space<vmem>>) target_semaphore(%run_scoped3A_87 : memref<!tpu.dma_semaphore, #tpu.memory_space<semaphore_mem>>)
      %dma_wait3A = arith.constant 0 : i32
      %dma_wait3A_97 = tpu.memref_slice %arg6[%run_scoped3A_66, %dma_wait3A] : memref<16x640xf32, #tpu.memory_space<vmem>> -> memref<1x640xf32, #tpu.memory_space<vmem>>
      %dma_wait3A_98 = tpu.memref_squeeze %dma_wait3A_97 : memref<1x640xf32, #tpu.memory_space<vmem>> -> memref<640xf32, #tpu.memory_space<vmem>>
      %dma_wait3A_99 = tpu.memref_slice %arg8[%run_scoped3A_65, %mul3A_64] : memref<16x10240xf32, #tpu.memory_space<vmem_shared>> -> memref<1x640xf32, #tpu.memory_space<vmem_shared>>
      %dma_wait3A_100 = tpu.memref_squeeze %dma_wait3A_99 : memref<1x640xf32, #tpu.memory_space<vmem_shared>> -> memref<640xf32, #tpu.memory_space<vmem_shared>>
      %dma_wait3A_101 = arith.constant 0 : i32
      %dma_wait3A_102 = tpu.memref_slice %arg6[%run_scoped3A_66, %dma_wait3A_101] : memref<16x640xf32, #tpu.memory_space<vmem>> -> memref<1x640xf32, #tpu.memory_space<vmem>>
      %dma_wait3A_103 = tpu.memref_squeeze %dma_wait3A_102 : memref<1x640xf32, #tpu.memory_space<vmem>> -> memref<640xf32, #tpu.memory_space<vmem>>
      %dma_wait3A_104 = tpu.memref_slice %arg8[%run_scoped3A_65, %mul3A_64] : memref<16x10240xf32, #tpu.memory_space<vmem_shared>> -> memref<1x640xf32, #tpu.memory_space<vmem_shared>>
      %dma_wait3A_105 = tpu.memref_squeeze %dma_wait3A_104 : memref<1x640xf32, #tpu.memory_space<vmem_shared>> -> memref<640xf32, #tpu.memory_space<vmem_shared>>
      tpu.wait_dma2 semaphore(%run_scoped3A_87 : memref<!tpu.dma_semaphore, #tpu.memory_space<semaphore_mem>>) src(%dma_wait3A_105 : memref<640xf32, #tpu.memory_space<vmem_shared>>) dst(%dma_wait3A_103 : memref<640xf32, #tpu.memory_space<vmem>>)
      tpu.yield
    }) : () -> ()
    %mul3A_67 = arith.constant 640 : i32
    %mul3A_68 = arith.muli %arg1, %mul3A_67 : i32
    %run_scoped3A_69 = arith.constant 13 : i32
    %run_scoped3A_70 = arith.constant 13 : i32
    "tpu.region"() ({
      %run_scoped3A_87 = tpu.sem_alloc : memref<!tpu.dma_semaphore, #tpu.memory_space<semaphore_mem>>
      %dma_start3A = arith.constant 0 : i32
      %dma_start3A_88 = tpu.memref_slice %arg6[%run_scoped3A_70, %dma_start3A] : memref<16x640xf32, #tpu.memory_space<vmem>> -> memref<1x640xf32, #tpu.memory_space<vmem>>
      %dma_start3A_89 = tpu.memref_squeeze %dma_start3A_88 : memref<1x640xf32, #tpu.memory_space<vmem>> -> memref<640xf32, #tpu.memory_space<vmem>>
      %dma_start3A_90 = tpu.memref_slice %arg8[%run_scoped3A_69, %mul3A_68] : memref<16x10240xf32, #tpu.memory_space<vmem_shared>> -> memref<1x640xf32, #tpu.memory_space<vmem_shared>>
      %dma_start3A_91 = tpu.memref_squeeze %dma_start3A_90 : memref<1x640xf32, #tpu.memory_space<vmem_shared>> -> memref<640xf32, #tpu.memory_space<vmem_shared>>
      %dma_start3A_92 = arith.constant 0 : i32
      %dma_start3A_93 = tpu.memref_slice %arg6[%run_scoped3A_70, %dma_start3A_92] : memref<16x640xf32, #tpu.memory_space<vmem>> -> memref<1x640xf32, #tpu.memory_space<vmem>>
      %dma_start3A_94 = tpu.memref_squeeze %dma_start3A_93 : memref<1x640xf32, #tpu.memory_space<vmem>> -> memref<640xf32, #tpu.memory_space<vmem>>
      %dma_start3A_95 = tpu.memref_slice %arg8[%run_scoped3A_69, %mul3A_68] : memref<16x10240xf32, #tpu.memory_space<vmem_shared>> -> memref<1x640xf32, #tpu.memory_space<vmem_shared>>
      %dma_start3A_96 = tpu.memref_squeeze %dma_start3A_95 : memref<1x640xf32, #tpu.memory_space<vmem_shared>> -> memref<640xf32, #tpu.memory_space<vmem_shared>>
      tpu.enqueue_dma source(%dma_start3A_96 : memref<640xf32, #tpu.memory_space<vmem_shared>>) target(%dma_start3A_94 : memref<640xf32, #tpu.memory_space<vmem>>) target_semaphore(%run_scoped3A_87 : memref<!tpu.dma_semaphore, #tpu.memory_space<semaphore_mem>>)
      %dma_wait3A = arith.constant 0 : i32
      %dma_wait3A_97 = tpu.memref_slice %arg6[%run_scoped3A_70, %dma_wait3A] : memref<16x640xf32, #tpu.memory_space<vmem>> -> memref<1x640xf32, #tpu.memory_space<vmem>>
      %dma_wait3A_98 = tpu.memref_squeeze %dma_wait3A_97 : memref<1x640xf32, #tpu.memory_space<vmem>> -> memref<640xf32, #tpu.memory_space<vmem>>
      %dma_wait3A_99 = tpu.memref_slice %arg8[%run_scoped3A_69, %mul3A_68] : memref<16x10240xf32, #tpu.memory_space<vmem_shared>> -> memref<1x640xf32, #tpu.memory_space<vmem_shared>>
      %dma_wait3A_100 = tpu.memref_squeeze %dma_wait3A_99 : memref<1x640xf32, #tpu.memory_space<vmem_shared>> -> memref<640xf32, #tpu.memory_space<vmem_shared>>
      %dma_wait3A_101 = arith.constant 0 : i32
      %dma_wait3A_102 = tpu.memref_slice %arg6[%run_scoped3A_70, %dma_wait3A_101] : memref<16x640xf32, #tpu.memory_space<vmem>> -> memref<1x640xf32, #tpu.memory_space<vmem>>
      %dma_wait3A_103 = tpu.memref_squeeze %dma_wait3A_102 : memref<1x640xf32, #tpu.memory_space<vmem>> -> memref<640xf32, #tpu.memory_space<vmem>>
      %dma_wait3A_104 = tpu.memref_slice %arg8[%run_scoped3A_69, %mul3A_68] : memref<16x10240xf32, #tpu.memory_space<vmem_shared>> -> memref<1x640xf32, #tpu.memory_space<vmem_shared>>
      %dma_wait3A_105 = tpu.memref_squeeze %dma_wait3A_104 : memref<1x640xf32, #tpu.memory_space<vmem_shared>> -> memref<640xf32, #tpu.memory_space<vmem_shared>>
      tpu.wait_dma2 semaphore(%run_scoped3A_87 : memref<!tpu.dma_semaphore, #tpu.memory_space<semaphore_mem>>) src(%dma_wait3A_105 : memref<640xf32, #tpu.memory_space<vmem_shared>>) dst(%dma_wait3A_103 : memref<640xf32, #tpu.memory_space<vmem>>)
      tpu.yield
    }) : () -> ()
    %mul3A_71 = arith.constant 640 : i32
    %mul3A_72 = arith.muli %arg1, %mul3A_71 : i32
    %run_scoped3A_73 = arith.constant 14 : i32
    %run_scoped3A_74 = arith.constant 14 : i32
    "tpu.region"() ({
      %run_scoped3A_87 = tpu.sem_alloc : memref<!tpu.dma_semaphore, #tpu.memory_space<semaphore_mem>>
      %dma_start3A = arith.constant 0 : i32
      %dma_start3A_88 = tpu.memref_slice %arg6[%run_scoped3A_74, %dma_start3A] : memref<16x640xf32, #tpu.memory_space<vmem>> -> memref<1x640xf32, #tpu.memory_space<vmem>>
      %dma_start3A_89 = tpu.memref_squeeze %dma_start3A_88 : memref<1x640xf32, #tpu.memory_space<vmem>> -> memref<640xf32, #tpu.memory_space<vmem>>
      %dma_start3A_90 = tpu.memref_slice %arg8[%run_scoped3A_73, %mul3A_72] : memref<16x10240xf32, #tpu.memory_space<vmem_shared>> -> memref<1x640xf32, #tpu.memory_space<vmem_shared>>
      %dma_start3A_91 = tpu.memref_squeeze %dma_start3A_90 : memref<1x640xf32, #tpu.memory_space<vmem_shared>> -> memref<640xf32, #tpu.memory_space<vmem_shared>>
      %dma_start3A_92 = arith.constant 0 : i32
      %dma_start3A_93 = tpu.memref_slice %arg6[%run_scoped3A_74, %dma_start3A_92] : memref<16x640xf32, #tpu.memory_space<vmem>> -> memref<1x640xf32, #tpu.memory_space<vmem>>
      %dma_start3A_94 = tpu.memref_squeeze %dma_start3A_93 : memref<1x640xf32, #tpu.memory_space<vmem>> -> memref<640xf32, #tpu.memory_space<vmem>>
      %dma_start3A_95 = tpu.memref_slice %arg8[%run_scoped3A_73, %mul3A_72] : memref<16x10240xf32, #tpu.memory_space<vmem_shared>> -> memref<1x640xf32, #tpu.memory_space<vmem_shared>>
      %dma_start3A_96 = tpu.memref_squeeze %dma_start3A_95 : memref<1x640xf32, #tpu.memory_space<vmem_shared>> -> memref<640xf32, #tpu.memory_space<vmem_shared>>
      tpu.enqueue_dma source(%dma_start3A_96 : memref<640xf32, #tpu.memory_space<vmem_shared>>) target(%dma_start3A_94 : memref<640xf32, #tpu.memory_space<vmem>>) target_semaphore(%run_scoped3A_87 : memref<!tpu.dma_semaphore, #tpu.memory_space<semaphore_mem>>)
      %dma_wait3A = arith.constant 0 : i32
      %dma_wait3A_97 = tpu.memref_slice %arg6[%run_scoped3A_74, %dma_wait3A] : memref<16x640xf32, #tpu.memory_space<vmem>> -> memref<1x640xf32, #tpu.memory_space<vmem>>
      %dma_wait3A_98 = tpu.memref_squeeze %dma_wait3A_97 : memref<1x640xf32, #tpu.memory_space<vmem>> -> memref<640xf32, #tpu.memory_space<vmem>>
      %dma_wait3A_99 = tpu.memref_slice %arg8[%run_scoped3A_73, %mul3A_72] : memref<16x10240xf32, #tpu.memory_space<vmem_shared>> -> memref<1x640xf32, #tpu.memory_space<vmem_shared>>
      %dma_wait3A_100 = tpu.memref_squeeze %dma_wait3A_99 : memref<1x640xf32, #tpu.memory_space<vmem_shared>> -> memref<640xf32, #tpu.memory_space<vmem_shared>>
      %dma_wait3A_101 = arith.constant 0 : i32
      %dma_wait3A_102 = tpu.memref_slice %arg6[%run_scoped3A_74, %dma_wait3A_101] : memref<16x640xf32, #tpu.memory_space<vmem>> -> memref<1x640xf32, #tpu.memory_space<vmem>>
      %dma_wait3A_103 = tpu.memref_squeeze %dma_wait3A_102 : memref<1x640xf32, #tpu.memory_space<vmem>> -> memref<640xf32, #tpu.memory_space<vmem>>
      %dma_wait3A_104 = tpu.memref_slice %arg8[%run_scoped3A_73, %mul3A_72] : memref<16x10240xf32, #tpu.memory_space<vmem_shared>> -> memref<1x640xf32, #tpu.memory_space<vmem_shared>>
      %dma_wait3A_105 = tpu.memref_squeeze %dma_wait3A_104 : memref<1x640xf32, #tpu.memory_space<vmem_shared>> -> memref<640xf32, #tpu.memory_space<vmem_shared>>
      tpu.wait_dma2 semaphore(%run_scoped3A_87 : memref<!tpu.dma_semaphore, #tpu.memory_space<semaphore_mem>>) src(%dma_wait3A_105 : memref<640xf32, #tpu.memory_space<vmem_shared>>) dst(%dma_wait3A_103 : memref<640xf32, #tpu.memory_space<vmem>>)
      tpu.yield
    }) : () -> ()
    %mul3A_75 = arith.constant 640 : i32
    %mul3A_76 = arith.muli %arg1, %mul3A_75 : i32
    %run_scoped3A_77 = arith.constant 15 : i32
    %run_scoped3A_78 = arith.constant 15 : i32
    "tpu.region"() ({
      %run_scoped3A_87 = tpu.sem_alloc : memref<!tpu.dma_semaphore, #tpu.memory_space<semaphore_mem>>
      %dma_start3A = arith.constant 0 : i32
      %dma_start3A_88 = tpu.memref_slice %arg6[%run_scoped3A_78, %dma_start3A] : memref<16x640xf32, #tpu.memory_space<vmem>> -> memref<1x640xf32, #tpu.memory_space<vmem>>
      %dma_start3A_89 = tpu.memref_squeeze %dma_start3A_88 : memref<1x640xf32, #tpu.memory_space<vmem>> -> memref<640xf32, #tpu.memory_space<vmem>>
      %dma_start3A_90 = tpu.memref_slice %arg8[%run_scoped3A_77, %mul3A_76] : memref<16x10240xf32, #tpu.memory_space<vmem_shared>> -> memref<1x640xf32, #tpu.memory_space<vmem_shared>>
      %dma_start3A_91 = tpu.memref_squeeze %dma_start3A_90 : memref<1x640xf32, #tpu.memory_space<vmem_shared>> -> memref<640xf32, #tpu.memory_space<vmem_shared>>
      %dma_start3A_92 = arith.constant 0 : i32
      %dma_start3A_93 = tpu.memref_slice %arg6[%run_scoped3A_78, %dma_start3A_92] : memref<16x640xf32, #tpu.memory_space<vmem>> -> memref<1x640xf32, #tpu.memory_space<vmem>>
      %dma_start3A_94 = tpu.memref_squeeze %dma_start3A_93 : memref<1x640xf32, #tpu.memory_space<vmem>> -> memref<640xf32, #tpu.memory_space<vmem>>
      %dma_start3A_95 = tpu.memref_slice %arg8[%run_scoped3A_77, %mul3A_76] : memref<16x10240xf32, #tpu.memory_space<vmem_shared>> -> memref<1x640xf32, #tpu.memory_space<vmem_shared>>
      %dma_start3A_96 = tpu.memref_squeeze %dma_start3A_95 : memref<1x640xf32, #tpu.memory_space<vmem_shared>> -> memref<640xf32, #tpu.memory_space<vmem_shared>>
      tpu.enqueue_dma source(%dma_start3A_96 : memref<640xf32, #tpu.memory_space<vmem_shared>>) target(%dma_start3A_94 : memref<640xf32, #tpu.memory_space<vmem>>) target_semaphore(%run_scoped3A_87 : memref<!tpu.dma_semaphore, #tpu.memory_space<semaphore_mem>>)
      %dma_wait3A = arith.constant 0 : i32
      %dma_wait3A_97 = tpu.memref_slice %arg6[%run_scoped3A_78, %dma_wait3A] : memref<16x640xf32, #tpu.memory_space<vmem>> -> memref<1x640xf32, #tpu.memory_space<vmem>>
      %dma_wait3A_98 = tpu.memref_squeeze %dma_wait3A_97 : memref<1x640xf32, #tpu.memory_space<vmem>> -> memref<640xf32, #tpu.memory_space<vmem>>
      %dma_wait3A_99 = tpu.memref_slice %arg8[%run_scoped3A_77, %mul3A_76] : memref<16x10240xf32, #tpu.memory_space<vmem_shared>> -> memref<1x640xf32, #tpu.memory_space<vmem_shared>>
      %dma_wait3A_100 = tpu.memref_squeeze %dma_wait3A_99 : memref<1x640xf32, #tpu.memory_space<vmem_shared>> -> memref<640xf32, #tpu.memory_space<vmem_shared>>
      %dma_wait3A_101 = arith.constant 0 : i32
      %dma_wait3A_102 = tpu.memref_slice %arg6[%run_scoped3A_78, %dma_wait3A_101] : memref<16x640xf32, #tpu.memory_space<vmem>> -> memref<1x640xf32, #tpu.memory_space<vmem>>
      %dma_wait3A_103 = tpu.memref_squeeze %dma_wait3A_102 : memref<1x640xf32, #tpu.memory_space<vmem>> -> memref<640xf32, #tpu.memory_space<vmem>>
      %dma_wait3A_104 = tpu.memref_slice %arg8[%run_scoped3A_77, %mul3A_76] : memref<16x10240xf32, #tpu.memory_space<vmem_shared>> -> memref<1x640xf32, #tpu.memory_space<vmem_shared>>
      %dma_wait3A_105 = tpu.memref_squeeze %dma_wait3A_104 : memref<1x640xf32, #tpu.memory_space<vmem_shared>> -> memref<640xf32, #tpu.memory_space<vmem_shared>>
      tpu.wait_dma2 semaphore(%run_scoped3A_87 : memref<!tpu.dma_semaphore, #tpu.memory_space<semaphore_mem>>) src(%dma_wait3A_105 : memref<640xf32, #tpu.memory_space<vmem_shared>>) dst(%dma_wait3A_103 : memref<640xf32, #tpu.memory_space<vmem>>)
      tpu.yield
    }) : () -> ()
    %scan3A_79 = arith.constant 0 : i32
    %scan3A_80 = arith.constant 0 : i32
    %scan3A_81 = arith.constant 40 : i32
    %scan3A_82 = arith.addi %scan3A_80, %scan3A_81 : i32
    %scan3A_83 = arith.constant 1 : i32
    scf.for %scan3A_87 = %scan3A_80 to %scan3A_82 step %scan3A_83  : i32 {
      %mul3A_88 = arith.constant 16 : i32
      %mul3A_89 = arith.muli %scan3A_87, %mul3A_88 : i32
      %get3A = arith.constant 0 : i32
      %get3A_90 = arith.index_cast %get3A : i32 to index
      %get3A_91 = arith.index_cast %mul3A_89 : i32 to index
      %get3A_92 = tpu.vector_load %arg6[%get3A_90, %get3A_91] {strides = array<i32>} : memref<16x640xf32, #tpu.memory_space<vmem>>, vector<16xf32>,
      %mul3A_93 = arith.constant 16 : i32
      %mul3A_94 = arith.muli %scan3A_87, %mul3A_93 : i32
      %get3A_95 = arith.constant 1 : i32
      %get3A_96 = arith.index_cast %get3A_95 : i32 to index
      %get3A_97 = arith.index_cast %mul3A_94 : i32 to index
      %get3A_98 = tpu.vector_load %arg6[%get3A_96, %get3A_97] {strides = array<i32>} : memref<16x640xf32, #tpu.memory_space<vmem>>, vector<16xf32>,
      %add3A_99 = arith.addf %get3A_92, %get3A_98 : vector<16xf32>
      %mul3A_100 = arith.constant 16 : i32
      %mul3A_101 = arith.muli %scan3A_87, %mul3A_100 : i32
      %get3A_102 = arith.constant 2 : i32
      %get3A_103 = arith.index_cast %get3A_102 : i32 to index
      %get3A_104 = arith.index_cast %mul3A_101 : i32 to index
      %get3A_105 = tpu.vector_load %arg6[%get3A_103, %get3A_104] {strides = array<i32>} : memref<16x640xf32, #tpu.memory_space<vmem>>, vector<16xf32>,
      %add3A_106 = arith.addf %add3A_99, %get3A_105 : vector<16xf32>
      %mul3A_107 = arith.constant 16 : i32
      %mul3A_108 = arith.muli %scan3A_87, %mul3A_107 : i32
      %get3A_109 = arith.constant 3 : i32
      %get3A_110 = arith.index_cast %get3A_109 : i32 to index
      %get3A_111 = arith.index_cast %mul3A_108 : i32 to index
      %get3A_112 = tpu.vector_load %arg6[%get3A_110, %get3A_111] {strides = array<i32>} : memref<16x640xf32, #tpu.memory_space<vmem>>, vector<16xf32>,
      %add3A_113 = arith.addf %add3A_106, %get3A_112 : vector<16xf32>
      %mul3A_114 = arith.constant 16 : i32
      %mul3A_115 = arith.muli %scan3A_87, %mul3A_114 : i32
      %get3A_116 = arith.constant 4 : i32
      %get3A_117 = arith.index_cast %get3A_116 : i32 to index
      %get3A_118 = arith.index_cast %mul3A_115 : i32 to index
      %get3A_119 = tpu.vector_load %arg6[%get3A_117, %get3A_118] {strides = array<i32>} : memref<16x640xf32, #tpu.memory_space<vmem>>, vector<16xf32>,
      %add3A_120 = arith.addf %add3A_113, %get3A_119 : vector<16xf32>
      %mul3A_121 = arith.constant 16 : i32
      %mul3A_122 = arith.muli %scan3A_87, %mul3A_121 : i32
      %get3A_123 = arith.constant 5 : i32
      %get3A_124 = arith.index_cast %get3A_123 : i32 to index
      %get3A_125 = arith.index_cast %mul3A_122 : i32 to index
      %get3A_126 = tpu.vector_load %arg6[%get3A_124, %get3A_125] {strides = array<i32>} : memref<16x640xf32, #tpu.memory_space<vmem>>, vector<16xf32>,
      %add3A_127 = arith.addf %add3A_120, %get3A_126 : vector<16xf32>
      %mul3A_128 = arith.constant 16 : i32
      %mul3A_129 = arith.muli %scan3A_87, %mul3A_128 : i32
      %get3A_130 = arith.constant 6 : i32
      %get3A_131 = arith.index_cast %get3A_130 : i32 to index
      %get3A_132 = arith.index_cast %mul3A_129 : i32 to index
      %get3A_133 = tpu.vector_load %arg6[%get3A_131, %get3A_132] {strides = array<i32>} : memref<16x640xf32, #tpu.memory_space<vmem>>, vector<16xf32>,
      %add3A_134 = arith.addf %add3A_127, %get3A_133 : vector<16xf32>
      %mul3A_135 = arith.constant 16 : i32
      %mul3A_136 = arith.muli %scan3A_87, %mul3A_135 : i32
      %get3A_137 = arith.constant 7 : i32
      %get3A_138 = arith.index_cast %get3A_137 : i32 to index
      %get3A_139 = arith.index_cast %mul3A_136 : i32 to index
      %get3A_140 = tpu.vector_load %arg6[%get3A_138, %get3A_139] {strides = array<i32>} : memref<16x640xf32, #tpu.memory_space<vmem>>, vector<16xf32>,
      %add3A_141 = arith.addf %add3A_134, %get3A_140 : vector<16xf32>
      %mul3A_142 = arith.constant 16 : i32
      %mul3A_143 = arith.muli %scan3A_87, %mul3A_142 : i32
      %get3A_144 = arith.constant 8 : i32
      %get3A_145 = arith.index_cast %get3A_144 : i32 to index
      %get3A_146 = arith.index_cast %mul3A_143 : i32 to index
      %get3A_147 = tpu.vector_load %arg6[%get3A_145, %get3A_146] {strides = array<i32>} : memref<16x640xf32, #tpu.memory_space<vmem>>, vector<16xf32>,
      %add3A_148 = arith.addf %add3A_141, %get3A_147 : vector<16xf32>
      %mul3A_149 = arith.constant 16 : i32
      %mul3A_150 = arith.muli %scan3A_87, %mul3A_149 : i32
      %get3A_151 = arith.constant 9 : i32
      %get3A_152 = arith.index_cast %get3A_151 : i32 to index
      %get3A_153 = arith.index_cast %mul3A_150 : i32 to index
      %get3A_154 = tpu.vector_load %arg6[%get3A_152, %get3A_153] {strides = array<i32>} : memref<16x640xf32, #tpu.memory_space<vmem>>, vector<16xf32>,
      %add3A_155 = arith.addf %add3A_148, %get3A_154 : vector<16xf32>
      %mul3A_156 = arith.constant 16 : i32
      %mul3A_157 = arith.muli %scan3A_87, %mul3A_156 : i32
      %get3A_158 = arith.constant 10 : i32
      %get3A_159 = arith.index_cast %get3A_158 : i32 to index
      %get3A_160 = arith.index_cast %mul3A_157 : i32 to index
      %get3A_161 = tpu.vector_load %arg6[%get3A_159, %get3A_160] {strides = array<i32>} : memref<16x640xf32, #tpu.memory_space<vmem>>, vector<16xf32>,
      %add3A_162 = arith.addf %add3A_155, %get3A_161 : vector<16xf32>
      %mul3A_163 = arith.constant 16 : i32
      %mul3A_164 = arith.muli %scan3A_87, %mul3A_163 : i32
      %get3A_165 = arith.constant 11 : i32
      %get3A_166 = arith.index_cast %get3A_165 : i32 to index
      %get3A_167 = arith.index_cast %mul3A_164 : i32 to index
      %get3A_168 = tpu.vector_load %arg6[%get3A_166, %get3A_167] {strides = array<i32>} : memref<16x640xf32, #tpu.memory_space<vmem>>, vector<16xf32>,
      %add3A_169 = arith.addf %add3A_162, %get3A_168 : vector<16xf32>
      %mul3A_170 = arith.constant 16 : i32
      %mul3A_171 = arith.muli %scan3A_87, %mul3A_170 : i32
      %get3A_172 = arith.constant 12 : i32
      %get3A_173 = arith.index_cast %get3A_172 : i32 to index
      %get3A_174 = arith.index_cast %mul3A_171 : i32 to index
      %get3A_175 = tpu.vector_load %arg6[%get3A_173, %get3A_174] {strides = array<i32>} : memref<16x640xf32, #tpu.memory_space<vmem>>, vector<16xf32>,
      %add3A_176 = arith.addf %add3A_169, %get3A_175 : vector<16xf32>
      %mul3A_177 = arith.constant 16 : i32
      %mul3A_178 = arith.muli %scan3A_87, %mul3A_177 : i32
      %get3A_179 = arith.constant 13 : i32
      %get3A_180 = arith.index_cast %get3A_179 : i32 to index
      %get3A_181 = arith.index_cast %mul3A_178 : i32 to index
      %get3A_182 = tpu.vector_load %arg6[%get3A_180, %get3A_181] {strides = array<i32>} : memref<16x640xf32, #tpu.memory_space<vmem>>, vector<16xf32>,
      %add3A_183 = arith.addf %add3A_176, %get3A_182 : vector<16xf32>
      %mul3A_184 = arith.constant 16 : i32
      %mul3A_185 = arith.muli %scan3A_87, %mul3A_184 : i32
      %get3A_186 = arith.constant 14 : i32
      %get3A_187 = arith.index_cast %get3A_186 : i32 to index
      %get3A_188 = arith.index_cast %mul3A_185 : i32 to index
      %get3A_189 = tpu.vector_load %arg6[%get3A_187, %get3A_188] {strides = array<i32>} : memref<16x640xf32, #tpu.memory_space<vmem>>, vector<16xf32>,
      %add3A_190 = arith.addf %add3A_183, %get3A_189 : vector<16xf32>
      %mul3A_191 = arith.constant 16 : i32
      %mul3A_192 = arith.muli %scan3A_87, %mul3A_191 : i32
      %get3A_193 = arith.constant 15 : i32
      %get3A_194 = arith.index_cast %get3A_193 : i32 to index
      %get3A_195 = arith.index_cast %mul3A_192 : i32 to index
      %get3A_196 = tpu.vector_load %arg6[%get3A_194, %get3A_195] {strides = array<i32>} : memref<16x640xf32, #tpu.memory_space<vmem>>, vector<16xf32>,
      %add3A_197 = arith.addf %add3A_190, %get3A_196 : vector<16xf32>
      %mul3A_198 = arith.constant 16 : i32
      %mul3A_199 = arith.muli %scan3A_87, %mul3A_198 : i32
      %swap3A = arith.index_cast %mul3A_199 : i32 to index
      %swap3A_200 = tpu.vector_load %arg7[%swap3A] {strides = array<i32>} : memref<640xf32, #tpu.memory_space<vmem>>, vector<16xf32>,
      tpu.vector_store %arg7[%swap3A], %add3A_197 {strides = array<i32>} : memref<640xf32, #tpu.memory_space<vmem>>, vector<16xf32>,
    }
    %scan3A_84 = arith.constant 40 : i32
    %mul3A_85 = arith.constant 640 : i32
    %mul3A_86 = arith.muli %arg1, %mul3A_85 : i32
    "tpu.region"() ({
      %run_scoped3A_87 = tpu.sem_alloc : memref<!tpu.dma_semaphore, #tpu.memory_space<semaphore_mem>>
      %dma_start3A = tpu.memref_slice %arg3[%arg0, %mul3A_86] : memref<2x10240xf32, #tpu.memory_space<hbm>> -> memref<1x640xf32, #tpu.memory_space<hbm>>
      %dma_start3A_88 = tpu.memref_squeeze %dma_start3A : memref<1x640xf32, #tpu.memory_space<hbm>> -> memref<640xf32, #tpu.memory_space<hbm>>
      %dma_start3A_89 = tpu.memref_slice %arg3[%arg0, %mul3A_86] : memref<2x10240xf32, #tpu.memory_space<hbm>> -> memref<1x640xf32, #tpu.memory_space<hbm>>
      %dma_start3A_90 = tpu.memref_squeeze %dma_start3A_89 : memref<1x640xf32, #tpu.memory_space<hbm>> -> memref<640xf32, #tpu.memory_space<hbm>>
      tpu.enqueue_dma source(%arg7 : memref<640xf32, #tpu.memory_space<vmem>>) target(%dma_start3A_90 : memref<640xf32, #tpu.memory_space<hbm>>) target_semaphore(%run_scoped3A_87 : memref<!tpu.dma_semaphore, #tpu.memory_space<semaphore_mem>>)
      %dma_wait3A = tpu.memref_slice %arg3[%arg0, %mul3A_86] : memref<2x10240xf32, #tpu.memory_space<hbm>> -> memref<1x640xf32, #tpu.memory_space<hbm>>
      %dma_wait3A_91 = tpu.memref_squeeze %dma_wait3A : memref<1x640xf32, #tpu.memory_space<hbm>> -> memref<640xf32, #tpu.memory_space<hbm>>
      %dma_wait3A_92 = tpu.memref_slice %arg3[%arg0, %mul3A_86] : memref<2x10240xf32, #tpu.memory_space<hbm>> -> memref<1x640xf32, #tpu.memory_space<hbm>>
      %dma_wait3A_93 = tpu.memref_squeeze %dma_wait3A_92 : memref<1x640xf32, #tpu.memory_space<hbm>> -> memref<640xf32, #tpu.memory_space<hbm>>
      tpu.wait_dma2 semaphore(%run_scoped3A_87 : memref<!tpu.dma_semaphore, #tpu.memory_space<semaphore_mem>>) src(%arg7 : memref<640xf32, #tpu.memory_space<vmem>>) dst(%dma_wait3A_93 : memref<640xf32, #tpu.memory_space<hbm>>)
      tpu.yield
    }) : () -> ()
    return
  }
}

</mosaic_0001>

<sc_bundles>
// kernel: _deg_call.3.cloned.1.call-start
scs
__scs_entry_jumppad:
0x0: {  	(pc) =	sbr.rel $0x88, $3  }
0x1: {  	(tag) =	ssettag $0x0;
	lr =	simm.s32 $0x1  }
0x2: {  	[smem:$0x3FA0] =	sst lr;
	_ =	strace $0xD0000000  }
0x3: {  	_ = 	snop  }
0x4: {  	_ = 	snop  }
0x5: {  	_ = 	snop  }
0x6: {  	_ = 	snop  }
0x7: {  	_ = 	snop  }
__scs_overlays_trampoline_lowered:
0x8: {  	[smem:$0x3FAF] =	sst s0  }
0x9: {  	[smem:$0x3FB0] =	sst s1  }
0xa: {  	[smem:$0x3FB1] =	sst s2  }
0xb: {  	[smem:$0x3FB2] =	sst s3  }
0xc: {  	[smem:$0x3FB3] =	sst s4  }
0xd: {  	[smem:$0x3FB4] =	sst s5  }
0xe: {  	[smem:$0x3FB5] =	sst s6  }
0xf: {  	[smem:$0x3FB6] =	sst s7  }
0x10: {  	[smem:$0x3FB7] =	sst s8  }
0x11: {  	[smem:$0x3FB8] =	sst s9;
	s0 =	simm.s32 @!p0 $0x0  }
0x12: {  	s1 =	sld [smem:$0x3F9E];
	s0 =	simm.s32 @p0 $0x1  }
0x13: {  	[smem:$0x3FB9] =	sst s0;
	s0 =	simm.s32 @!p1 $0x0  }
0x14: {  	s2 =	sld [smem:$0x3F9D];
	s0 =	simm.s32 @p1 $0x1  }
0x15: {  	[smem:$0x3FBA] =	sst s0;
	s0 =	simm.s32 @!p2 $0x0  }
0x16: {  	s3 =	sld [smem:$0x3FDB];
	s0 =	simm.s32 @p2 $0x1  }
0x17: {  	s4 =	simm.s32 $0x1BF5;
	[smem:$0x3FBC] =	sst s0  }
0x18: {  	s0 =	sld [smem:$0x3F9F];
	_ =	swait.ge [sflag:s4], $0x0  }
0x19: {  	s7 =	sld [smem:$0x3FA0]  }
0x1a: {  	s8 =	sadd.s32 $0xFFFFE003, lr  }
0x1b: {  	s9 =	sadd.s32 $0xFFFFFEF7, lr;
	s5 =	simm.s32 $0xFFFFFFFF;
	p2 =	slt.u32 s8, $0xFFFFF086  }
0x1c: {  	p1 =	slt.u32 s9, $0xF7A;
	s5 =	simm.s32 @!p2 $0x0  }
0x1d: {  	s5 =	simm.s32 @p1 $0x1;
	p0 =	seq.s32 s7, s2  }
0x1e: {  	s7 =	smul.u32 @!p0 $0xF7A, s2;
	p2 =	seq.s32 @!p0 s5, $0x0  }
0x1f: {  	s9 =	smul.u32 $0xF7A, s1;
	s8 =	simm.s32 @!p0 $0x1BF5;
	p2 =	por !p2, p0  }
0x20: {  	[sflag:s8] =	ssyncset.s32 @!p0 $0xFFFFF086;
	s6 =	sadd.s32 @!p0 s3, s7;
	s7 =	simm.s32 @!p0 $0x108  }
0x21: {  	s3 =	sadd.s32 s3, s9;
	s6 =	sadd.s32 @!p0 $0x88, s6;
	s7 =	simm.s32 @p2 $0x1082  }
0x22: {  	[simem:s7], [sflag:s8] =	dma.local @!p0 [hbm:s6], $0xF7A  }
0x23: {  	s9 =	sor.u32 $0xD0000000, s2;
	s6 =	simm.s32 $0x108;
	_ =	swait.ge @!p0 [sflag:s8], $0x0  }
0x24: {  	s3 =	sadd.s32 $0x88, s3;
	s6 =	simm.s32 @!p1 $0x1082;
	[sflag:s4] =	ssyncset.s32 $0xFFFFF086  }
0x25: {  	[simem:s6], [sflag:s4] =	dma.local [hbm:s3], $0xF7A  }
0x26: {  	[smem:$0x3FA0] =	sst s1;
	(tag) =	ssettag s2;
	_ =	strace s9  }
0x27: {  	s1 =	sld [smem:$0x3FB0]  }
0x28: {  	s2 =	sld [smem:$0x3FB1]  }
0x29: {  	s4 =	sld [smem:$0x3FB3]  }
0x2a: {  	p0 =	seq.s32 s5, $0x0;
	s5 =	sld [smem:$0x3FB4]  }
0x2b: {  	s6 =	sld [smem:$0x3FB5]  }
0x2c: {  	s7 =	sld [smem:$0x3FB6]  }
0x2d: {  	s3 =	simm.s32 $0x108;
	s8 =	sld [smem:$0x3FB7]  }
0x2e: {  	s3 =	simm.s32 @!p0 $0x1082;
	s9 =	sld [smem:$0x3FB8]  }
0x2f: {  	lr =	sadd.s32 s0, s3;
	s0 =	sld [smem:$0x3FAF]  }
0x30: {  	s3 =	sld [smem:$0x3FB2]  }
0x31: {  	[smem:$0x3FBB] =	sst s10  }
0x32: {  	s10 =	sld [smem:$0x3FB9];
	_ =	sdelay $0x3  }
0x33: {  	p0 =	seq.s32 s10, $0x1;
	s10 =	sld [smem:$0x3FBB];
	_ =	sdelay $0x3  }
0x34: {  	[smem:$0x3FBB] =	sst s10  }
0x35: {  	s10 =	sld [smem:$0x3FBA];
	_ =	sdelay $0x3  }
0x36: {  	p1 =	seq.s32 s10, $0x1;
	s10 =	sld [smem:$0x3FBB];
	_ =	sdelay $0x3  }
0x37: {  	[smem:$0x3FBB] =	sst s10  }
0x38: {  	s10 =	sld [smem:$0x3FBC]  }
0x39: {  	_ = 	snop;
	(pc) =	sbr.ind lr, $3  }
0x3a: {  	_ = 	snop  }
0x3b: {  	_ = 	snop  }
0x3c: {  	p2 =	seq.s32 s10, $0x1;
	s10 =	sld [smem:$0x3FBB]  }
0x3d: {  	_ =	shalt  }
0x3e: {  	_ =	shalt  }
0x3f: {  	_ =	shalt  }
0x40: {  	_ =	shalt  }
0x41: {  	_ =	shalt  }
0x42: {  	_ =	shalt  }
0x43: {  	_ =	shalt  }
0x44: {  	_ =	shalt  }
0x45: {  	_ =	shalt  }
0x46: {  	_ =	shalt  }
0x47: {  	_ =	shalt  }
0x48: {  	_ =	shalt  }
0x49: {  	_ =	shalt  }
0x4a: {  	_ =	shalt  }
0x4b: {  	_ =	shalt  }
0x4c: {  	_ =	shalt  }
0x4d: {  	_ =	shalt  }
0x4e: {  	_ =	shalt  }
0x4f: {  	_ =	shalt  }
0x50: {  	_ =	shalt  }
0x51: {  	_ =	shalt  }
0x52: {  	_ =	shalt  }
0x53: {  	_ =	shalt  }
0x54: {  	_ =	shalt  }
0x55: {  	_ =	shalt  }
0x56: {  	_ =	shalt  }
0x57: {  	_ =	shalt  }
0x58: {  	_ =	shalt  }
0x59: {  	_ =	shalt  }
0x5a: {  	_ =	shalt  }
0x5b: {  	_ =	shalt  }
0x5c: {  	_ =	shalt  }
0x5d: {  	_ =	shalt  }
0x5e: {  	_ =	shalt  }
0x5f: {  	_ =	shalt  }
0x60: {  	_ =	shalt  }
0x61: {  	_ =	shalt  }
0x62: {  	_ =	shalt  }
0x63: {  	_ =	shalt  }
0x64: {  	_ =	shalt  }
0x65: {  	_ =	shalt  }
0x66: {  	_ =	shalt  }
0x67: {  	_ =	shalt  }
0x68: {  	_ =	shalt  }
0x69: {  	_ =	shalt  }
0x6a: {  	_ =	shalt  }
0x6b: {  	_ =	shalt  }
0x6c: {  	_ =	shalt  }
0x6d: {  	_ =	shalt  }
0x6e: {  	_ =	shalt  }
0x6f: {  	_ =	shalt  }
0x70: {  	_ =	shalt  }
0x71: {  	_ =	shalt  }
0x72: {  	_ =	shalt  }
0x73: {  	_ =	shalt  }
0x74: {  	_ =	shalt  }
0x75: {  	_ =	shalt  }
0x76: {  	_ =	shalt  }
0x77: {  	_ =	shalt  }
0x78: {  	_ =	shalt  }
0x79: {  	_ =	shalt  }
0x7a: {  	_ =	shalt  }
0x7b: {  	_ =	shalt  }
0x7c: {  	_ =	shalt  }
0x7d: {  	_ =	shalt  }
0x7e: {  	_ =	shalt  }
0x7f: {  	_ =	shalt  }
0x80: {  	_ =	shalt  }
0x81: {  	_ =	shalt  }
0x82: {  	_ =	shalt  }
0x83: {  	_ =	shalt  }
0x84: {  	_ =	shalt  }
0x85: {  	_ =	shalt  }
0x86: {  	_ =	shalt  }
0x87: {  	_ =	shalt  }
.Lfunc_end0:
.L_simem_size_0:
called_computation_lowered:
.L_overlay_start_0:
0x88: {  	s2 =	sld [smem:$0x3FD9]  }
0x89: {  	s3 =	sld [smem:$0x3FFE];
	_ =	sdelay $0x1  }
0x8a: {  	s1 =	srdreg.scid  }
0x8b: {  	s0 =	sand.u32 $0x1, s1  }
0x8c: {  	s17 =	sshll.u32 s0, $0xA;
	s2 =	sadd.s32 s3, s2  }
0x8d: {  	s2 =	sadd.s32 s2, s17  }
0x8e: {  	[smem:$0x3FC7] =	sst s2  }
0x8f: {  	_ = 	snop  }
0x90: {  	s2 =	sld [smem:$0x3FD0];
	(tm) =	ssettm $0x1  }
0x91: {  	s18 =	sld [smem:$0x3FFB];
	_ =	sdelay $0x3  }
0x92: {  	_ =	strace s18  }
0x93: {  	s3 =	sld [smem:$0x3FFC];
	_ =	sdelay $0x3  }
0x94: {  	_ =	strace s3  }
0x95: {  	s3 =	sld [smem:$0x3FFD];
	_ =	sdelay $0x3  }
0x96: {  	_ =	strace s3  }
0x97: {  	_ =	strace $0x8FFFFFFF  }
0x98: {  	s19 =	sld [smem:$0x3FDB];
	_ =	sdelay $0x1  }
0x99: {  	s4 =	simm.s32 $_scs_section_size  }
0x9a: {  	s5 =	simm.s32 $_size__tile_overlayer_lowered;
	s6 =	simm.s32 $_tile_overlayer_lowered  }
0x9b: {  	s22 =	simm.s32 $0x1BFF;
	s21 =	sshll.u32 s6, $0x1;
	s3 =	sadd.s32 s4, s19  }
0x9c: {  	s7 =	simm.s32 $0x0;
	s20 =	sshll.u32 s5, $0x1;
	s5 =	sadd.s32 s21, s3  }
0x9d: {  	[timem:s7], [sflag:s22] =	dma.local [hbm:s5], s20  }
0x9e: {  	_ =	swait.ge [sflag:s22], s20  }
0x9f: {  	s4 =	ssub.s32 $0x0, s20;
	[sflag:s22] =	ssyncset.done $0x0  }
0xa0: {  	[sflag:s22] =	ssyncadd.s32 s4;
	_ =	sdelay $0x1  }
0xa1: {  	s23 =	simm.s32 $0x1B8B  }
0xa2: {  	_ =	swait.ge [sflag:s23], $0x1  }
0xa3: {  	[sflag:s23] =	ssyncset.done $0x0  }
0xa4: {  	s25 =	simm.s32 $0x1B8E;
	s24 =	sld [smem:$0x3FFE];
	[sflag:s23] =	ssyncadd.s32 $0xFFFFFFFF  }
0xa5: {  	s26 =	simm.s32 $execute0_lowered;
	[smem:$0x3FD2] =	sst s25  }
0xa6: {  	s5 =	sshll.u32 s26, $0x1;
	_ =	strace $0x80000046;
	[dreg:$0x1] =	wrdreg $0xFFFFFFFF  }
0xa7: {  	s28 =	simm.s32 $_size_execute0_lowered;
	s3 =	sadd.s32 s3, s5;
	[dreg:$0x0] =	wrdreg $0x0  }
0xa8: {  	s5 =	sshll.u32 s28, $0x1;
	[dreg:$0x2] =	wrdreg s3  }
0xa9: {  	[dreg:$0x3] =	wrdreg s5  }
0xaa: {  	[dreg:$0x4] =	wrdreg $0xC0  }
0xab: {  	_ =	task [dreg:s7], $0x5FFFF  }
0xac: {  	[dreg:$0x1] =	wrdreg $0xFFFFFFFF  }
0xad: {  	[dreg:$0x0] =	wrdreg $0x60  }
0xae: {  	[dreg:$0x2] =	wrdreg s24  }
0xaf: {  	[dreg:$0x3] =	wrdreg s2  }
0xb0: {  	[dreg:$0x4] =	wrdreg $0x92800  }
0xb1: {  	[dreg:$0x5] =	wrdreg $0x9  }
0xb2: {  	_ =	task.clear_ibuf [dreg:s7], $0x6FFFF;
	_ =	strace $0x90000046  }
0xb3: {  	s29 =	simm.s32 $0x9;
	_ =	strace $0x80000048  }
0xb4: {  	_ =	swait.ge [sflag:s29], $0x1  }
0xb5: {  	[sflag:s29] =	ssyncadd.s32 $0xFFFFFFFF  }
0xb6: {  	_ =	strace $0x90000048  }
0xb7: {  	_ =	sfence  }
0xb8: {  	s30 =	sld [smem:$0x0];
	_ =	sdelay $0x2  }
0xb9: {  	s31 =	sshll.u32 s1, $0xD;
	s1 =	sshrl.u32 s1, $0x2  }
0xba: {  	s3 =	sand.u32 $0x4000, s31;
	s1 =	sadd.s32 s1, s30  }
0xbb: {  	s0 =	sor.u32 s3, s0;
	s1 =	sshll.u32 s1, $0x11  }
0xbc: {  	s0 =	sor.u32 s1, s0  }
0xbd: {  	s0 =	sadd.s32 $0x8F2B, s0  }
0xbe: {  	[sflag:s0] =	ssyncadd.remote.s32 $0x1  }
0xbf: {  	_ =	sfence.sel $0xFFFF  }
0xc0: {  	[dreg:$0x0] =	wrdreg $0xFFFFFFFF;
	(pc) =	sbr.abs _section_cstart, $3  }
0xc1: {  	[dreg:$0x1] =	wrdreg $0xFFFFFFFF  }
0xc2: {  	_ =	task.clear_ibuf [dreg:s7], $0x2FFFF;
	_ =	strace $0x9FFFFFFF  }
0xc3: {  	(tm) =	ssettm $0x7FFFFFFF  }
tec
execute0_lowered:
.L_overlay_start_1:
0x0: {  	(tag) =	ssettag $0x1  }
0x1: {  	s3 =	srdreg.scid  }
0x2: {  	s0 =	rddreg [dreg:$0x0];
	s9 =	stileid.u32;
	s4 =	sand.u32 $0x1, s3  }
0x3: {  	s1 =	rddreg [dreg:$0x1];
	s8 =	smul.u32 $0x5000, s9;
	s3 =	sshll.u32 s4, $0xB  }
0x4: {  	s2 =	rddreg [dreg:$0x2];
	s7 =	sshll.u32 s9, $0xC;
	s0 =	sadd.s32 s3, s0  }
0x5: {  	s5 =	simm.s32 $0x0;
	s10 =	sshrl.u32 s8, $0x2;
	s0 =	sadd.s32 s7, s0  }
0x6: {  	[smem:$0x7FF] =	sst s5;
	s3 =	sadd.s32 s10, s2;
	s0 =	sadd.s32 $0x10400, s0  }
0x7: {  	_ =	strace $0x80000047;
	s13 =	sadd.s32 $0x80, s3;
	[dreg:$0x4] =	wrdreg s0  }
0x8: {  	s14 =	sadd.s32 $0x100, s3;
	[dreg:$0x6] =	wrdreg s13  }
0x9: {  	s15 =	sadd.s32 $0x180, s3;
	[dreg:$0x7] =	wrdreg s14  }
0xa: {  	s16 =	sadd.s32 $0x200, s3;
	[dreg:$0x8] =	wrdreg s15  }
0xb: {  	s17 =	sadd.s32 $0x280, s3;
	[dreg:$0x9] =	wrdreg s16  }
0xc: {  	s25 =	sshrl.u32 s9, $0x3;
	s18 =	sadd.s32 $0x300, s3;
	[dreg:$0xa] =	wrdreg s17  }
0xd: {  	s5 =	smul.u32 $0x50000, s25;
	s19 =	sadd.s32 $0x380, s3;
	[dreg:$0xb] =	wrdreg s18  }
0xe: {  	s26 =	ssub.s32 $0x2, s4;
	s20 =	sadd.s32 $0x14000, s3;
	[dreg:$0xc] =	wrdreg s19  }
0xf: {  	s5 =	sshrl.u32 s5, $0x2;
	s21 =	sadd.s32 $0x14080, s3;
	[dreg:$0xd] =	wrdreg s20  }
0x10: {  	s5 =	sadd.s32 s5, s2;
	s2 =	sadd.s32 $0x14100, s3;
	[dreg:$0xe] =	wrdreg s21  }
0x11: {  	s6 =	sshrl.u32 s26, $0x1;
	s23 =	sadd.s32 $0x14180, s3;
	[dreg:$0xf] =	wrdreg s2  }
0x12: {  	s6 =	ssub.s32 s26, s6;
	s25 =	sadd.s32 $0x14200, s3;
	[dreg:$0x10] =	wrdreg s23  }
0x13: {  	s7 =	sshll.u32 s9, $0x7;
	s26 =	sadd.s32 $0x14280, s3;
	[dreg:$0x11] =	wrdreg s25  }
0x14: {  	s11 =	sand.u32 $0x380, s7;
	s7 =	sadd.s32 $0x14380, s3;
	[dreg:$0x12] =	wrdreg s26  }
0x15: {  	s8 =	smax.u32 s6, $0x1;
	[dreg:$0x14] =	wrdreg s7  }
0x16: {  	s22 =	smul.u32 $0x500, s9;
	s9 =	sadd.s32 $0x400, s3;
	[dreg:$0x16] =	wrdreg s8  }
0x17: {  	s10 =	sadd.s32 $0x800, s3;
	[dreg:$0x17] =	wrdreg s9  }
0x18: {  	s24 =	sshll.u32 s4, $0x7;
	s4 =	sadd.s32 $0x680, s3;
	[dreg:$0x18] =	wrdreg s10  }
0x19: {  	s6 =	sadd.s32 $0xE80, s3;
	[smem:$0x7E7] =	sst s4  }
0x1a: {  	s12 =	sadd.s32 s11, s5;
	[smem:$0x7E9] =	sst s6  }
0x1b: {  	s5 =	sadd.s32 $0x14300, s3;
	[dreg:$0x5] =	wrdreg s12  }
0x1c: {  	s11 =	sadd.s32 $0xC00, s3;
	[dreg:$0x13] =	wrdreg s5  }
0x1d: {  	s13 =	sadd.s32 $0x480, s3;
	[dreg:$0x19] =	wrdreg s11  }
0x1e: {  	s14 =	sadd.s32 $0x880, s3;
	[dreg:$0x1b] =	wrdreg s13  }
0x1f: {  	s15 =	sadd.s32 $0xC80, s3;
	[dreg:$0x1c] =	wrdreg s14  }
0x20: {  	s16 =	sadd.s32 $0x1080, s3;
	[dreg:$0x1d] =	wrdreg s15  }
0x21: {  	s17 =	sadd.s32 $0x500, s3;
	[dreg:$0x1e] =	wrdreg s16  }
0x22: {  	s18 =	sadd.s32 $0x900, s3;
	[dreg:$0x1f] =	wrdreg s17  }
0x23: {  	s19 =	sadd.s32 $0xD00, s3;
	[smem:$0x7DC] =	sst s18  }
0x24: {  	s20 =	sadd.s32 $0x1100, s3;
	[smem:$0x7DD] =	sst s19  }
0x25: {  	s21 =	sadd.s32 $0x580, s3;
	[smem:$0x7DE] =	sst s20  }
0x26: {  	s0 =	sor.u32 s24, s22;
	s22 =	sadd.s32 $0x980, s3;
	[smem:$0x7DF] =	sst s21  }
0x27: {  	s23 =	sadd.s32 $0xD80, s3;
	[smem:$0x7E0] =	sst s22  }
0x28: {  	s24 =	sadd.s32 $0x1180, s3;
	[smem:$0x7E1] =	sst s23  }
0x29: {  	s25 =	sadd.s32 $0x600, s3;
	[smem:$0x7E2] =	sst s24  }
0x2a: {  	s26 =	sadd.s32 $0xA00, s3;
	[smem:$0x7E3] =	sst s25  }
0x2b: {  	s2 =	sadd.s32 $0x1200, s3;
	[smem:$0x7E4] =	sst s26  }
0x2c: {  	s7 =	sadd.s32 $0x1280, s3;
	[smem:$0x7E6] =	sst s2  }
0x2d: {  	s8 =	sadd.s32 $0x700, s3;
	[smem:$0x7EA] =	sst s7  }
0x2e: {  	s9 =	sadd.s32 $0xB00, s3;
	[smem:$0x7EB] =	sst s8  }
0x2f: {  	s10 =	sadd.s32 $0xF00, s3;
	[smem:$0x7EC] =	sst s9  }
0x30: {  	s12 =	sadd.s32 $0x1000, s3;
	[smem:$0x7ED] =	sst s10  }
0x31: {  	s5 =	sadd.s32 $0xA80, s3;
	[dreg:$0x1a] =	wrdreg s12  }
0x32: {  	s11 =	sadd.s32 $0x1300, s3;
	[smem:$0x7E8] =	sst s5  }
0x33: {  	s13 =	sadd.s32 $0xB80, s3;
	[smem:$0x7EE] =	sst s11  }
0x34: {  	s14 =	sadd.s32 $0xF80, s3;
	[smem:$0x7F0] =	sst s13  }
0x35: {  	s28 =	simm.s32 $0x1;
	s15 =	sadd.s32 $0x1380, s3;
	[smem:$0x7F1] =	sst s14  }
0x36: {  	s29 =	simm.s32 $0x4000;
	s16 =	sadd.s32 $0x14400, s3;
	[smem:$0x7F2] =	sst s15  }
0x37: {  	s30 =	simm.s32 $0x80;
	s17 =	sadd.s32 $0x14800, s3;
	[smem:$0x7F3] =	sst s16  }
0x38: {  	s31 =	simm.s32 $0x0;
	s18 =	sadd.s32 $0x14C00, s3;
	[smem:$0x7F4] =	sst s17  }
0x39: {  	s6 =	sadd.s32 $0x15100, s3;
	s19 =	sadd.s32 $0x15000, s3;
	[smem:$0x7F5] =	sst s18  }
0x3a: {  	s0 =	sshrl.u32 s0, $0x3;
	s20 =	sadd.s32 $0x14480, s3;
	[smem:$0x7F6] =	sst s19  }
0x3b: {  	s21 =	sadd.s32 $0x14880, s3;
	s22 =	sadd.s32 $0x14C80, s3;
	[smem:$0x7F7] =	sst s20  }
0x3c: {  	s23 =	sadd.s32 $0x15080, s3;
	s24 =	sadd.s32 $0x14500, s3;
	[smem:$0x7F8] =	sst s21  }
0x3d: {  	s25 =	sadd.s32 $0x14900, s3;
	s26 =	sadd.s32 $0x14D00, s3;
	[smem:$0x7F9] =	sst s22  }
0x3e: {  	s7 =	sadd.s32 $0x14580, s3;
	s8 =	sadd.s32 $0x14980, s3;
	[smem:$0x7FA] =	sst s23  }
0x3f: {  	s9 =	sadd.s32 $0x14D80, s3;
	s10 =	sadd.s32 $0x15180, s3;
	[smem:$0x7FB] =	sst s24  }
0x40: {  	s0 =	sadd.s32 s1, s0;
	s1 =	sadd.s32 $0xE00, s3;
	[smem:$0x7FC] =	sst s25  }
0x41: {  	s12 =	sadd.s32 $0x780, s3;
	[smem:$0x7FD] =	sst s26;
	s11 =	sadd.s32 $0x14600, s3  }
0x42: {  	s13 =	sadd.s32 $0x14E00, s3;
	s14 =	sadd.s32 $0x15200, s3;
	s15 =	sadd.s32 $0x14680, s3  }
0x43: {  	s16 =	sadd.s32 $0x14A80, s3;
	s17 =	sadd.s32 $0x14E80, s3;
	s18 =	sadd.s32 $0x15280, s3  }
0x44: {  	s19 =	sadd.s32 $0x14700, s3;
	s20 =	sadd.s32 $0x14B00, s3;
	s21 =	sadd.s32 $0x14F00, s3  }
0x45: {  	s22 =	sadd.s32 $0x15300, s3;
	s23 =	sadd.s32 $0x14780, s3;
	[dreg:$0x15] =	wrdreg s0  }
0x46: {  	s24 =	sadd.s32 $0x14B80, s3;
	s25 =	sadd.s32 $0x14F80, s3;
	[smem:$0x7E5] =	sst s1  }
0x47: {  	v0 =	vimm.f32 $0.0e+00;
	v1 =	vimm.f32 $1.000000000e+00;
	s26 =	sadd.s32 $0x15380, s3;
	[smem:$0x7EF] =	sst s12;
	s12 =	sadd.s32 $0x14A00, s3  }
.LBB2_1:
0x48: {  	s0 =	simm.s32 $0x0;
	s1 =	rddreg [dreg:$0x4]  }
0x49: {  	[tilespmem:s0], [sflag:$0x1] =	stream.linear.gather [hbm4b:s1+s0], $0x3E80, $0x38;
	[tilespmem:$0xBA80] =	vst v63  }
0x4a: {  	_ =	swait.ge [sflag:s28], $0x3E80  }
0x4b: {  	[sflag:s28] =	ssyncset.done $0x0  }
0x4c: {  	s0 =	simm.s32 $0x0;
	[sflag:s28] =	ssyncadd.s32 $0xFFFFC180  }
.LBB2_2:
0x4d: {  	p0 =	sne.s32 s0, $0x9FC0  }
.Ltmp0:
0x4e: {  	_ = 	snop;
	(pc) =	sbr.rel @p0 .LBB2_2-.Ltmp0, $3  }
0x4f: {  	_ =	sdelay $0x1  }
0x50: {  	s1 =	sshra.s32 s0, $0x2  }
0x51: {  	s0 =	sadd.s32 $0x40, s0;
	[tilespmem:s1+$0x4000] =	vst v0  }
0x52: {  	s0 =	simm.s32 $0x100  }
.LBB2_4:
0x53: {  	s1 =	sshra.s32 s0, $0x2  }
0x54: {  	v2 =	vld [tilespmem:s1+$0xFFFFFFC0];
	_ =	sdelay $0x7  }
0x55: {  	[tilespmem:v2+s29+$0x0] =	vst.idx.add.f32.msk $0xffff, v1  }
0x56: {  	v2 =	vld [tilespmem:s1+$0xFFFFFFD0];
	_ =	sdelay $0x7  }
0x57: {  	[tilespmem:v2+s29+$0x0] =	vst.idx.add.f32.msk $0xffff, v1  }
0x58: {  	v2 =	vld [tilespmem:s1+$0xFFFFFFE0];
	_ =	sdelay $0x7  }
0x59: {  	[tilespmem:v2+s29+$0x0] =	vst.idx.add.f32.msk $0xffff, v1  }
0x5a: {  	v2 =	vld [tilespmem:s1+$0xFFFFFFF0];
	_ =	sdelay $0x7  }
0x5b: {  	[tilespmem:v2+s29+$0x0] =	vst.idx.add.f32.msk $0xffff, v1  }
0x5c: {  	v2 =	vld [tilespmem:s1+$0x0];
	_ =	sdelay $0x2  }
0x5d: {  	p0 =	sne.s32 s0, $0xF900  }
.Ltmp1:
0x5e: {  	_ = 	snop;
	(pc) =	sbr.rel @p0 .LBB2_4-.Ltmp1, $2  }
0x5f: {  	_ =	sdelay $0x2  }
0x60: {  	s0 =	sadd.s32 $0x200, s0;
	[tilespmem:v2+s29+$0x0] =	vst.idx.add.f32.msk $0xffff, v1  }
0x61: {  	s0 =	rddreg [dreg:$0x5];
	s1 =	simm.s32 $0x400  }
0x62: {  	[spmem:s0] =	stream.strided.scatter [tilespmem:s29], [sflag:$0x1], $0x2800, s1, s30, $0x38;
	[tilespmem:$0xBA80] =	vst v63  }
0x63: {  	_ =	swait.ge [sflag:s28], $0x2800  }
0x64: {  	[sflag:s28] =	ssyncset.done $0x0  }
0x65: {  	[sflag:s28] =	ssyncadd.s32 $0xFFFFD800  }
0x66: {  	s2 =	simm.s32 $0x6800;
	[bflag:$0x0] =	sbarrier.arrive $0xFFFF  }
0x67: {  	[tilespmem:s2], [sflag:$0x1] =	stream.linear.gather [spmem:s3], $0x80, $0x38;
	[tilespmem:$0xBA80] =	vst v63  }
0x68: {  	s5 =	simm.s32 $0x6C00;
	s4 =	rddreg [dreg:$0x17]  }
0x69: {  	[tilespmem:s5], [sflag:$0x1] =	stream.linear.gather [spmem:s4], $0x80, $0x38;
	[tilespmem:$0xBA80] =	vst v63  }
0x6a: {  	s1 =	rddreg [dreg:$0x18];
	s2 =	simm.s32 $0x7000  }
0x6b: {  	[tilespmem:s2], [sflag:$0x1] =	stream.linear.gather [spmem:s1], $0x80, $0x38;
	[tilespmem:$0xBA80] =	vst v63  }
0x6c: {  	s4 =	rddreg [dreg:$0x19];
	s5 =	simm.s32 $0x7400  }
0x6d: {  	[tilespmem:s5], [sflag:$0x1] =	stream.linear.gather [spmem:s4], $0x80, $0x38;
	[tilespmem:$0xBA80] =	vst v63  }
0x6e: {  	s1 =	rddreg [dreg:$0x1a];
	s2 =	simm.s32 $0x7800  }
0x6f: {  	[tilespmem:s2], [sflag:$0x1] =	stream.linear.gather [spmem:s1], $0x80, $0x38;
	[tilespmem:$0xBA80] =	vst v63  }
0x70: {  	_ =	swait.ge [sflag:s28], $0x280  }
0x71: {  	[sflag:s28] =	ssyncset.done $0x0  }
0x72: {  	s5 =	simm.s32 $0x6880;
	s4 =	rddreg [dreg:$0x6];
	[sflag:s28] =	ssyncadd.s32 $0xFFFFFD80  }
0x73: {  	[tilespmem:s5], [sflag:$0x1] =	stream.linear.gather [spmem:s4], $0x80, $0x38;
	[tilespmem:$0xBA80] =	vst v63  }
0x74: {  	s2 =	simm.s32 $0x6C80;
	s1 =	rddreg [dreg:$0x1b]  }
0x75: {  	[tilespmem:s2], [sflag:$0x1] =	stream.linear.gather [spmem:s1], $0x80, $0x38;
	[tilespmem:$0xBA80] =	vst v63  }
0x76: {  	s4 =	rddreg [dreg:$0x1c];
	s5 =	simm.s32 $0x7080  }
0x77: {  	[tilespmem:s5], [sflag:$0x1] =	stream.linear.gather [spmem:s4], $0x80, $0x38;
	[tilespmem:$0xBA80] =	vst v63  }
0x78: {  	s1 =	rddreg [dreg:$0x1d];
	s2 =	simm.s32 $0x7480  }
0x79: {  	[tilespmem:s2], [sflag:$0x1] =	stream.linear.gather [spmem:s1], $0x80, $0x38;
	[tilespmem:$0xBA80] =	vst v63  }
0x7a: {  	s4 =	rddreg [dreg:$0x1e];
	s5 =	simm.s32 $0x7880  }
0x7b: {  	[tilespmem:s5], [sflag:$0x1] =	stream.linear.gather [spmem:s4], $0x80, $0x38;
	[tilespmem:$0xBA80] =	vst v63  }
0x7c: {  	_ =	swait.ge [sflag:s28], $0x280  }
0x7d: {  	[sflag:s28] =	ssyncset.done $0x0;
	s1 =	rddreg [dreg:$0x7]  }
0x7e: {  	s2 =	simm.s32 $0x6900;
	s4 =	rddreg [dreg:$0x1f];
	[sflag:s28] =	ssyncadd.s32 $0xFFFFFD80  }
0x7f: {  	[tilespmem:s2], [sflag:$0x1] =	stream.linear.gather [spmem:s1], $0x80, $0x38;
	[tilespmem:$0xBA80] =	vst v63  }
0x80: {  	s5 =	simm.s32 $0x6D00;
	s1 =	sld [smem:$0x7DC]  }
0x81: {  	[tilespmem:s5], [sflag:$0x1] =	stream.linear.gather [spmem:s4], $0x80, $0x38;
	[tilespmem:$0xBA80] =	vst v63  }
0x82: {  	s2 =	simm.s32 $0x7100;
	s4 =	sld [smem:$0x7DD]  }
0x83: {  	[tilespmem:s2], [sflag:$0x1] =	stream.linear.gather [spmem:s1], $0x80, $0x38;
	[tilespmem:$0xBA80] =	vst v63  }
0x84: {  	s5 =	simm.s32 $0x7500;
	s1 =	sld [smem:$0x7DE]  }
0x85: {  	[tilespmem:s5], [sflag:$0x1] =	stream.linear.gather [spmem:s4], $0x80, $0x38;
	[tilespmem:$0xBA80] =	vst v63  }
0x86: {  	s2 =	simm.s32 $0x7900  }
0x87: {  	[tilespmem:s2], [sflag:$0x1] =	stream.linear.gather [spmem:s1], $0x80, $0x38;
	[tilespmem:$0xBA80] =	vst v63  }
0x88: {  	_ =	swait.ge [sflag:s28], $0x280  }
0x89: {  	[sflag:s28] =	ssyncset.done $0x0;
	s4 =	rddreg [dreg:$0x8]  }
0x8a: {  	s5 =	simm.s32 $0x6980;
	s1 =	sld [smem:$0x7DF];
	[sflag:s28] =	ssyncadd.s32 $0xFFFFFD80  }
0x8b: {  	[tilespmem:s5], [sflag:$0x1] =	stream.linear.gather [spmem:s4], $0x80, $0x38;
	[tilespmem:$0xBA80] =	vst v63  }
0x8c: {  	s2 =	simm.s32 $0x6D80;
	s4 =	sld [smem:$0x7E0]  }
0x8d: {  	[tilespmem:s2], [sflag:$0x1] =	stream.linear.gather [spmem:s1], $0x80, $0x38;
	[tilespmem:$0xBA80] =	vst v63  }
0x8e: {  	s5 =	simm.s32 $0x7180;
	s1 =	sld [smem:$0x7E1]  }
0x8f: {  	[tilespmem:s5], [sflag:$0x1] =	stream.linear.gather [spmem:s4], $0x80, $0x38;
	[tilespmem:$0xBA80] =	vst v63  }
0x90: {  	s2 =	simm.s32 $0x7580;
	s4 =	sld [smem:$0x7E2]  }
0x91: {  	[tilespmem:s2], [sflag:$0x1] =	stream.linear.gather [spmem:s1], $0x80, $0x38;
	[tilespmem:$0xBA80] =	vst v63  }
0x92: {  	s5 =	simm.s32 $0x7980  }
0x93: {  	[tilespmem:s5], [sflag:$0x1] =	stream.linear.gather [spmem:s4], $0x80, $0x38;
	[tilespmem:$0xBA80] =	vst v63  }
0x94: {  	_ =	swait.ge [sflag:s28], $0x280  }
0x95: {  	[sflag:s28] =	ssyncset.done $0x0;
	s1 =	rddreg [dreg:$0x9]  }
0x96: {  	s2 =	simm.s32 $0x6A00;
	s4 =	sld [smem:$0x7E3];
	[sflag:s28] =	ssyncadd.s32 $0xFFFFFD80  }
0x97: {  	[tilespmem:s2], [sflag:$0x1] =	stream.linear.gather [spmem:s1], $0x80, $0x38;
	[tilespmem:$0xBA80] =	vst v63  }
0x98: {  	s5 =	simm.s32 $0x6E00;
	s1 =	sld [smem:$0x7E4]  }
0x99: {  	[tilespmem:s5], [sflag:$0x1] =	stream.linear.gather [spmem:s4], $0x80, $0x38;
	[tilespmem:$0xBA80] =	vst v63  }
0x9a: {  	s2 =	simm.s32 $0x7200;
	s4 =	sld [smem:$0x7E5]  }
0x9b: {  	[tilespmem:s2], [sflag:$0x1] =	stream.linear.gather [spmem:s1], $0x80, $0x38;
	[tilespmem:$0xBA80] =	vst v63  }
0x9c: {  	s5 =	simm.s32 $0x7600;
	s1 =	sld [smem:$0x7E6]  }
0x9d: {  	[tilespmem:s5], [sflag:$0x1] =	stream.linear.gather [spmem:s4], $0x80, $0x38;
	[tilespmem:$0xBA80] =	vst v63  }
0x9e: {  	s2 =	simm.s32 $0x7A00  }
0x9f: {  	[tilespmem:s2], [sflag:$0x1] =	stream.linear.gather [spmem:s1], $0x80, $0x38;
	[tilespmem:$0xBA80] =	vst v63  }
0xa0: {  	_ =	swait.ge [sflag:s28], $0x280  }
0xa1: {  	[sflag:s28] =	ssyncset.done $0x0;
	s4 =	rddreg [dreg:$0xa]  }
0xa2: {  	s5 =	simm.s32 $0x6A80;
	s1 =	sld [smem:$0x7E7];
	[sflag:s28] =	ssyncadd.s32 $0xFFFFFD80  }
0xa3: {  	[tilespmem:s5], [sflag:$0x1] =	stream.linear.gather [spmem:s4], $0x80, $0x38;
	[tilespmem:$0xBA80] =	vst v63  }
0xa4: {  	s2 =	simm.s32 $0x6E80;
	s4 =	sld [smem:$0x7E8]  }
0xa5: {  	[tilespmem:s2], [sflag:$0x1] =	stream.linear.gather [spmem:s1], $0x80, $0x38;
	[tilespmem:$0xBA80] =	vst v63  }
0xa6: {  	s5 =	simm.s32 $0x7280;
	s1 =	sld [smem:$0x7E9]  }
0xa7: {  	[tilespmem:s5], [sflag:$0x1] =	stream.linear.gather [spmem:s4], $0x80, $0x38;
	[tilespmem:$0xBA80] =	vst v63  }
0xa8: {  	s2 =	simm.s32 $0x7680;
	s4 =	sld [smem:$0x7EA]  }
0xa9: {  	[tilespmem:s2], [sflag:$0x1] =	stream.linear.gather [spmem:s1], $0x80, $0x38;
	[tilespmem:$0xBA80] =	vst v63  }
0xaa: {  	s5 =	simm.s32 $0x7A80  }
0xab: {  	[tilespmem:s5], [sflag:$0x1] =	stream.linear.gather [spmem:s4], $0x80, $0x38;
	[tilespmem:$0xBA80] =	vst v63  }
0xac: {  	_ =	swait.ge [sflag:s28], $0x280  }
0xad: {  	[sflag:s28] =	ssyncset.done $0x0;
	s1 =	rddreg [dreg:$0xb]  }
0xae: {  	s2 =	simm.s32 $0x6B00;
	s4 =	sld [smem:$0x7EB];
	[sflag:s28] =	ssyncadd.s32 $0xFFFFFD80  }
0xaf: {  	[tilespmem:s2], [sflag:$0x1] =	stream.linear.gather [spmem:s1], $0x80, $0x38;
	[tilespmem:$0xBA80] =	vst v63  }
0xb0: {  	s5 =	simm.s32 $0x6F00;
	s1 =	sld [smem:$0x7EC]  }
0xb1: {  	[tilespmem:s5], [sflag:$0x1] =	stream.linear.gather [spmem:s4], $0x80, $0x38;
	[tilespmem:$0xBA80] =	vst v63  }
0xb2: {  	s2 =	simm.s32 $0x7300;
	s4 =	sld [smem:$0x7ED]  }
0xb3: {  	[tilespmem:s2], [sflag:$0x1] =	stream.linear.gather [spmem:s1], $0x80, $0x38;
	[tilespmem:$0xBA80] =	vst v63  }
0xb4: {  	s5 =	simm.s32 $0x7700;
	s1 =	sld [smem:$0x7EE]  }
0xb5: {  	[tilespmem:s5], [sflag:$0x1] =	stream.linear.gather [spmem:s4], $0x80, $0x38;
	[tilespmem:$0xBA80] =	vst v63  }
0xb6: {  	s2 =	simm.s32 $0x7B00  }
0xb7: {  	[tilespmem:s2], [sflag:$0x1] =	stream.linear.gather [spmem:s1], $0x80, $0x38;
	[tilespmem:$0xBA80] =	vst v63  }
0xb8: {  	_ =	swait.ge [sflag:s28], $0x280  }
0xb9: {  	[sflag:s28] =	ssyncset.done $0x0;
	s4 =	rddreg [dreg:$0xc]  }
0xba: {  	s5 =	simm.s32 $0x6B80;
	s1 =	sld [smem:$0x7EF];
	[sflag:s28] =	ssyncadd.s32 $0xFFFFFD80  }
0xbb: {  	[tilespmem:s5], [sflag:$0x1] =	stream.linear.gather [spmem:s4], $0x80, $0x38;
	[tilespmem:$0xBA80] =	vst v63  }
0xbc: {  	s2 =	simm.s32 $0x6F80;
	s4 =	sld [smem:$0x7F0]  }
0xbd: {  	[tilespmem:s2], [sflag:$0x1] =	stream.linear.gather [spmem:s1], $0x80, $0x38;
	[tilespmem:$0xBA80] =	vst v63  }
0xbe: {  	s5 =	simm.s32 $0x7380;
	s1 =	sld [smem:$0x7F1]  }
0xbf: {  	[tilespmem:s5], [sflag:$0x1] =	stream.linear.gather [spmem:s4], $0x80, $0x38;
	[tilespmem:$0xBA80] =	vst v63  }
0xc0: {  	s2 =	simm.s32 $0x7780;
	s4 =	sld [smem:$0x7F2]  }
0xc1: {  	[tilespmem:s2], [sflag:$0x1] =	stream.linear.gather [spmem:s1], $0x80, $0x38;
	[tilespmem:$0xBA80] =	vst v63  }
0xc2: {  	s5 =	simm.s32 $0x7B80  }
0xc3: {  	[tilespmem:s5], [sflag:$0x1] =	stream.linear.gather [spmem:s4], $0x80, $0x38;
	[tilespmem:$0xBA80] =	vst v63  }
0xc4: {  	_ =	swait.ge [sflag:s28], $0x280  }
0xc5: {  	[sflag:s28] =	ssyncset.done $0x0;
	s1 =	rddreg [dreg:$0xd]  }
0xc6: {  	s2 =	simm.s32 $0x7C00;
	s4 =	sld [smem:$0x7F3];
	[sflag:s28] =	ssyncadd.s32 $0xFFFFFD80  }
0xc7: {  	[tilespmem:s2], [sflag:$0x1] =	stream.linear.gather [spmem:s1], $0x80, $0x38;
	[tilespmem:$0xBA80] =	vst v63  }
0xc8: {  	s5 =	simm.s32 $0x8000;
	s1 =	sld [smem:$0x7F4]  }
0xc9: {  	[tilespmem:s5], [sflag:$0x1] =	stream.linear.gather [spmem:s4], $0x80, $0x38;
	[tilespmem:$0xBA80] =	vst v63  }
0xca: {  	s2 =	simm.s32 $0x8400;
	s4 =	sld [smem:$0x7F5]  }
0xcb: {  	[tilespmem:s2], [sflag:$0x1] =	stream.linear.gather [spmem:s1], $0x80, $0x38;
	[tilespmem:$0xBA80] =	vst v63  }
0xcc: {  	s5 =	simm.s32 $0x8800;
	s1 =	sld [smem:$0x7F6]  }
0xcd: {  	[tilespmem:s5], [sflag:$0x1] =	stream.linear.gather [spmem:s4], $0x80, $0x38;
	[tilespmem:$0xBA80] =	vst v63  }
0xce: {  	s2 =	simm.s32 $0x8C00  }
0xcf: {  	[tilespmem:s2], [sflag:$0x1] =	stream.linear.gather [spmem:s1], $0x80, $0x38;
	[tilespmem:$0xBA80] =	vst v63  }
0xd0: {  	_ =	swait.ge [sflag:s28], $0x280  }
0xd1: {  	[sflag:s28] =	ssyncset.done $0x0;
	s4 =	rddreg [dreg:$0xe]  }
0xd2: {  	s5 =	simm.s32 $0x7C80;
	s1 =	sld [smem:$0x7F7];
	[sflag:s28] =	ssyncadd.s32 $0xFFFFFD80  }
0xd3: {  	[tilespmem:s5], [sflag:$0x1] =	stream.linear.gather [spmem:s4], $0x80, $0x38;
	[tilespmem:$0xBA80] =	vst v63  }
0xd4: {  	s2 =	simm.s32 $0x8080;
	s4 =	sld [smem:$0x7F8]  }
0xd5: {  	[tilespmem:s2], [sflag:$0x1] =	stream.linear.gather [spmem:s1], $0x80, $0x38;
	[tilespmem:$0xBA80] =	vst v63  }
0xd6: {  	s5 =	simm.s32 $0x8480;
	s1 =	sld [smem:$0x7F9]  }
0xd7: {  	[tilespmem:s5], [sflag:$0x1] =	stream.linear.gather [spmem:s4], $0x80, $0x38;
	[tilespmem:$0xBA80] =	vst v63  }
0xd8: {  	s2 =	simm.s32 $0x8880;
	s4 =	sld [smem:$0x7FA]  }
0xd9: {  	[tilespmem:s2], [sflag:$0x1] =	stream.linear.gather [spmem:s1], $0x80, $0x38;
	[tilespmem:$0xBA80] =	vst v63  }
0xda: {  	s5 =	simm.s32 $0x8C80  }
0xdb: {  	[tilespmem:s5], [sflag:$0x1] =	stream.linear.gather [spmem:s4], $0x80, $0x38;
	[tilespmem:$0xBA80] =	vst v63  }
0xdc: {  	_ =	swait.ge [sflag:s28], $0x280  }
0xdd: {  	[sflag:s28] =	ssyncset.done $0x0;
	s1 =	rddreg [dreg:$0xf]  }
0xde: {  	s2 =	simm.s32 $0x7D00;
	s4 =	sld [smem:$0x7FB];
	[sflag:s28] =	ssyncadd.s32 $0xFFFFFD80  }
0xdf: {  	[tilespmem:s2], [sflag:$0x1] =	stream.linear.gather [spmem:s1], $0x80, $0x38;
	[tilespmem:$0xBA80] =	vst v63  }
0xe0: {  	s5 =	simm.s32 $0x8100;
	s1 =	sld [smem:$0x7FC]  }
0xe1: {  	[tilespmem:s5], [sflag:$0x1] =	stream.linear.gather [spmem:s4], $0x80, $0x38;
	[tilespmem:$0xBA80] =	vst v63  }
0xe2: {  	s2 =	simm.s32 $0x8500;
	s4 =	sld [smem:$0x7FD]  }
0xe3: {  	[tilespmem:s2], [sflag:$0x1] =	stream.linear.gather [spmem:s1], $0x80, $0x38;
	[tilespmem:$0xBA80] =	vst v63  }
0xe4: {  	s5 =	simm.s32 $0x8900  }
0xe5: {  	[tilespmem:s5], [sflag:$0x1] =	stream.linear.gather [spmem:s4], $0x80, $0x38;
	[tilespmem:$0xBA80] =	vst v63  }
0xe6: {  	s2 =	simm.s32 $0x8D00  }
0xe7: {  	[tilespmem:s2], [sflag:$0x1] =	stream.linear.gather [spmem:s6], $0x80, $0x38;
	[tilespmem:$0xBA80] =	vst v63  }
0xe8: {  	_ =	swait.ge [sflag:s28], $0x280  }
0xe9: {  	[sflag:s28] =	ssyncset.done $0x0  }
0xea: {  	s5 =	simm.s32 $0x7D80;
	s4 =	rddreg [dreg:$0x10];
	[sflag:s28] =	ssyncadd.s32 $0xFFFFFD80  }
0xeb: {  	[tilespmem:s5], [sflag:$0x1] =	stream.linear.gather [spmem:s4], $0x80, $0x38;
	[tilespmem:$0xBA80] =	vst v63  }
0xec: {  	s1 =	simm.s32 $0x8180  }
0xed: {  	[tilespmem:s1], [sflag:$0x1] =	stream.linear.gather [spmem:s7], $0x80, $0x38;
	[tilespmem:$0xBA80] =	vst v63  }
0xee: {  	s2 =	simm.s32 $0x8580  }
0xef: {  	[tilespmem:s2], [sflag:$0x1] =	stream.linear.gather [spmem:s8], $0x80, $0x38;
	[tilespmem:$0xBA80] =	vst v63  }
0xf0: {  	s4 =	simm.s32 $0x8980  }
0xf1: {  	[tilespmem:s4], [sflag:$0x1] =	stream.linear.gather [spmem:s9], $0x80, $0x38;
	[tilespmem:$0xBA80] =	vst v63  }
0xf2: {  	s5 =	simm.s32 $0x8D80  }
0xf3: {  	[tilespmem:s5], [sflag:$0x1] =	stream.linear.gather [spmem:s10], $0x80, $0x38;
	[tilespmem:$0xBA80] =	vst v63  }
0xf4: {  	_ =	swait.ge [sflag:s28], $0x280  }
0xf5: {  	[sflag:s28] =	ssyncset.done $0x0  }
0xf6: {  	s2 =	simm.s32 $0x7E00;
	s1 =	rddreg [dreg:$0x11];
	[sflag:s28] =	ssyncadd.s32 $0xFFFFFD80  }
0xf7: {  	[tilespmem:s2], [sflag:$0x1] =	stream.linear.gather [spmem:s1], $0x80, $0x38;
	[tilespmem:$0xBA80] =	vst v63  }
0xf8: {  	s4 =	simm.s32 $0x8200  }
0xf9: {  	[tilespmem:s4], [sflag:$0x1] =	stream.linear.gather [spmem:s11], $0x80, $0x38;
	[tilespmem:$0xBA80] =	vst v63  }
0xfa: {  	s5 =	simm.s32 $0x8600  }
0xfb: {  	[tilespmem:s5], [sflag:$0x1] =	stream.linear.gather [spmem:s12], $0x80, $0x38;
	[tilespmem:$0xBA80] =	vst v63  }
0xfc: {  	s1 =	simm.s32 $0x8A00  }
0xfd: {  	[tilespmem:s1], [sflag:$0x1] =	stream.linear.gather [spmem:s13], $0x80, $0x38;
	[tilespmem:$0xBA80] =	vst v63  }
0xfe: {  	s2 =	simm.s32 $0x8E00  }
0xff: {  	[tilespmem:s2], [sflag:$0x1] =	stream.linear.gather [spmem:s14], $0x80, $0x38;
	[tilespmem:$0xBA80] =	vst v63  }
0x100: {  	_ =	swait.ge [sflag:s28], $0x280  }
0x101: {  	[sflag:s28] =	ssyncset.done $0x0  }
0x102: {  	s5 =	simm.s32 $0x7E80;
	s4 =	rddreg [dreg:$0x12];
	[sflag:s28] =	ssyncadd.s32 $0xFFFFFD80  }
0x103: {  	[tilespmem:s5], [sflag:$0x1] =	stream.linear.gather [spmem:s4], $0x80, $0x38;
	[tilespmem:$0xBA80] =	vst v63  }
0x104: {  	s1 =	simm.s32 $0x8280  }
0x105: {  	[tilespmem:s1], [sflag:$0x1] =	stream.linear.gather [spmem:s15], $0x80, $0x38;
	[tilespmem:$0xBA80] =	vst v63  }
0x106: {  	s2 =	simm.s32 $0x8680  }
0x107: {  	[tilespmem:s2], [sflag:$0x1] =	stream.linear.gather [spmem:s16], $0x80, $0x38;
	[tilespmem:$0xBA80] =	vst v63  }
0x108: {  	s4 =	simm.s32 $0x8A80  }
0x109: {  	[tilespmem:s4], [sflag:$0x1] =	stream.linear.gather [spmem:s17], $0x80, $0x38;
	[tilespmem:$0xBA80] =	vst v63  }
0x10a: {  	s5 =	simm.s32 $0x8E80  }
0x10b: {  	[tilespmem:s5], [sflag:$0x1] =	stream.linear.gather [spmem:s18], $0x80, $0x38;
	[tilespmem:$0xBA80] =	vst v63  }
0x10c: {  	_ =	swait.ge [sflag:s28], $0x280  }
0x10d: {  	[sflag:s28] =	ssyncset.done $0x0  }
0x10e: {  	s2 =	simm.s32 $0x7F00;
	s1 =	rddreg [dreg:$0x13];
	[sflag:s28] =	ssyncadd.s32 $0xFFFFFD80  }
0x10f: {  	[tilespmem:s2], [sflag:$0x1] =	stream.linear.gather [spmem:s1], $0x80, $0x38;
	[tilespmem:$0xBA80] =	vst v63  }
0x110: {  	s4 =	simm.s32 $0x8300  }
0x111: {  	[tilespmem:s4], [sflag:$0x1] =	stream.linear.gather [spmem:s19], $0x80, $0x38;
	[tilespmem:$0xBA80] =	vst v63  }
0x112: {  	s5 =	simm.s32 $0x8700  }
0x113: {  	[tilespmem:s5], [sflag:$0x1] =	stream.linear.gather [spmem:s20], $0x80, $0x38;
	[tilespmem:$0xBA80] =	vst v63  }
0x114: {  	s1 =	simm.s32 $0x8B00  }
0x115: {  	[tilespmem:s1], [sflag:$0x1] =	stream.linear.gather [spmem:s21], $0x80, $0x38;
	[tilespmem:$0xBA80] =	vst v63  }
0x116: {  	s2 =	simm.s32 $0x8F00  }
0x117: {  	[tilespmem:s2], [sflag:$0x1] =	stream.linear.gather [spmem:s22], $0x80, $0x38;
	[tilespmem:$0xBA80] =	vst v63  }
0x118: {  	_ =	swait.ge [sflag:s28], $0x280  }
0x119: {  	[sflag:s28] =	ssyncset.done $0x0  }
0x11a: {  	s5 =	simm.s32 $0x7F80;
	s4 =	rddreg [dreg:$0x14];
	[sflag:s28] =	ssyncadd.s32 $0xFFFFFD80  }
0x11b: {  	[tilespmem:s5], [sflag:$0x1] =	stream.linear.gather [spmem:s4], $0x80, $0x38;
	[tilespmem:$0xBA80] =	vst v63  }
0x11c: {  	s2 =	simm.s32 $0x8380  }
0x11d: {  	[tilespmem:s2], [sflag:$0x1] =	stream.linear.gather [spmem:s23], $0x80, $0x38;
	[tilespmem:$0xBA80] =	vst v63  }
0x11e: {  	s4 =	simm.s32 $0x8780  }
0x11f: {  	[tilespmem:s4], [sflag:$0x1] =	stream.linear.gather [spmem:s24], $0x80, $0x38;
	[tilespmem:$0xBA80] =	vst v63  }
0x120: {  	s5 =	simm.s32 $0x8B80  }
0x121: {  	[tilespmem:s5], [sflag:$0x1] =	stream.linear.gather [spmem:s25], $0x80, $0x38;
	[tilespmem:$0xBA80] =	vst v63  }
0x122: {  	s1 =	simm.s32 $0x8F80  }
0x123: {  	[tilespmem:s1], [sflag:$0x1] =	stream.linear.gather [spmem:s26], $0x80, $0x38;
	[tilespmem:$0xBA80] =	vst v63  }
0x124: {  	s2 =	simm.s32 $0x0;
	_ =	swait.ge [sflag:s28], $0x280  }
0x125: {  	s0 =	sand.u32 $0x1C00, s2;
	s4 =	sand.u32 $0x70, s2;
	[sflag:s28] =	ssyncset.done $0x0  }
0x126: {  	s0 =	sor.u32 s4, s0;
	[sflag:s28] =	ssyncadd.s32 $0xFFFFFD80  }
0x127: {  	v2 =	vld [tilespmem:s0+$0x6880]  }
0x128: {  	v3 =	vld [tilespmem:s0+$0x6800];
	_ =	sdelay $0x1  }
0x129: {  	v4 =	vld [tilespmem:s0+$0x6900];
	_ =	sdelay $0x1  }
0x12a: {  	v5 =	vld [tilespmem:s0+$0x6980]  }
0x12b: {  	v2 =	vadd.f32 v2, v3  }
0x12c: {  	v3 =	vld [tilespmem:s0+$0x6A00]  }
0x12d: {  	v2 =	vadd.f32 v4, v2  }
0x12e: {  	v56 =	vld [tilespmem:s0+$0x6A80]  }
0x12f: {  	v2 =	vadd.f32 v5, v2  }
0x130: {  	v57 =	vld [tilespmem:s0+$0x6B00]  }
0x131: {  	v2 =	vadd.f32 v3, v2  }
0x132: {  	v3 =	vld [tilespmem:s0+$0x6B80]  }
0x133: {  	v2 =	vadd.f32 v56, v2  }
0x134: {  	v58 =	vld [tilespmem:s0+$0x7C00]  }
0x135: {  	v2 =	vadd.f32 v57, v2  }
0x136: {  	v59 =	vld [tilespmem:s0+$0x7C80]  }
0x137: {  	v2 =	vadd.f32 v3, v2  }
0x138: {  	v3 =	vld [tilespmem:s0+$0x7D00]  }
0x139: {  	v2 =	vadd.f32 v58, v2  }
0x13a: {  	v60 =	vld [tilespmem:s0+$0x7D80]  }
0x13b: {  	v2 =	vadd.f32 v59, v2  }
0x13c: {  	v61 =	vld [tilespmem:s0+$0x7E00]  }
0x13d: {  	v2 =	vadd.f32 v3, v2  }
0x13e: {  	v3 =	vld [tilespmem:s0+$0x7E80]  }
0x13f: {  	v2 =	vadd.f32 v60, v2  }
0x140: {  	v62 =	vld [tilespmem:s0+$0x7F00]  }
0x141: {  	v2 =	vadd.f32 v61, v2  }
0x142: {  	v63 =	vld [tilespmem:s0+$0x7F80]  }
0x143: {  	v2 =	vadd.f32 v3, v2;
	_ =	sdelay $0x1  }
0x144: {  	v2 =	vadd.f32 v62, v2;
	_ =	sdelay $0x1  }
0x145: {  	s2 =	simm.s32 $0x80;
	s5 =	simm.s32 $0x10;
	v2 =	vadd.f32 v63, v2  }
0x146: {  	s4 =	sand.u32 $0x1C00, s2;
	s1 =	sand.u32 $0x70, s5;
	s0 =	simm.s32 $0x9000  }
0x147: {  	s1 =	sor.u32 s1, s4;
	s4 =	simm.s32 $0x20;
	[tilespmem:s0+$0x0] =	vst v2  }
.LBB2_6:
0x148: {  	p0 =	sne.s32 s4, $0x270;
	v2 =	vld [tilespmem:s1+$0x6880]  }
0x149: {  	v3 =	vld [tilespmem:s1+$0x6800];
	_ =	sdelay $0x1  }
0x14a: {  	v4 =	vld [tilespmem:s1+$0x6900];
	_ =	sdelay $0x1  }
0x14b: {  	v5 =	vld [tilespmem:s1+$0x6980]  }
0x14c: {  	v2 =	vadd.f32 v2, v3  }
0x14d: {  	v3 =	vld [tilespmem:s1+$0x6A00]  }
0x14e: {  	v2 =	vadd.f32 v4, v2  }
0x14f: {  	v4 =	vld [tilespmem:s1+$0x6A80]  }
0x150: {  	v2 =	vadd.f32 v5, v2  }
0x151: {  	v5 =	vld [tilespmem:s1+$0x6B00]  }
0x152: {  	v2 =	vadd.f32 v3, v2  }
0x153: {  	v3 =	vld [tilespmem:s1+$0x6B80]  }
0x154: {  	v2 =	vadd.f32 v4, v2  }
0x155: {  	v4 =	vld [tilespmem:s1+$0x7C00]  }
0x156: {  	v2 =	vadd.f32 v5, v2  }
0x157: {  	v5 =	vld [tilespmem:s1+$0x7C80]  }
0x158: {  	v2 =	vadd.f32 v3, v2  }
0x159: {  	v3 =	vld [tilespmem:s1+$0x7D00]  }
0x15a: {  	v2 =	vadd.f32 v4, v2  }
0x15b: {  	v4 =	vld [tilespmem:s1+$0x7D80]  }
0x15c: {  	v2 =	vadd.f32 v5, v2  }
0x15d: {  	v5 =	vld [tilespmem:s1+$0x7E00]  }
0x15e: {  	v2 =	vadd.f32 v3, v2  }
0x15f: {  	v3 =	vld [tilespmem:s1+$0x7E80]  }
0x160: {  	v2 =	vadd.f32 v4, v2  }
0x161: {  	v4 =	vld [tilespmem:s1+$0x7F00]  }
0x162: {  	v2 =	vadd.f32 v5, v2  }
0x163: {  	v5 =	vld [tilespmem:s1+$0x7F80]  }
0x164: {  	v2 =	vadd.f32 v3, v2;
	_ =	sdelay $0x1  }
.Ltmp2:
0x165: {  	v2 =	vadd.f32 v4, v2;
	(pc) =	sbr.rel @p0 .LBB2_6-.Ltmp2, $4  }
0x166: {  	_ = 	snop  }
0x167: {  	s2 =	sadd.s32 $0x80, s2;
	v2 =	vadd.f32 v5, v2  }
0x168: {  	s0 =	sadd.s32 $0x10, s0;
	s5 =	sand.u32 $0x1C00, s2;
	s1 =	sand.u32 $0x70, s4  }
0x169: {  	s4 =	sadd.s32 $0x10, s4;
	s1 =	sor.u32 s1, s5;
	[tilespmem:s0+$0x0] =	vst v2  }
0x16a: {  	v2 =	vld [tilespmem:s1+$0x6880]  }
0x16b: {  	v3 =	vld [tilespmem:s1+$0x6800];
	_ =	sdelay $0x1  }
0x16c: {  	v4 =	vld [tilespmem:s1+$0x6900];
	_ =	sdelay $0x1  }
0x16d: {  	v5 =	vld [tilespmem:s1+$0x6980]  }
0x16e: {  	v2 =	vadd.f32 v2, v3  }
0x16f: {  	v3 =	vld [tilespmem:s1+$0x6A00]  }
0x170: {  	v2 =	vadd.f32 v4, v2  }
0x171: {  	v56 =	vld [tilespmem:s1+$0x6A80]  }
0x172: {  	v2 =	vadd.f32 v5, v2  }
0x173: {  	v57 =	vld [tilespmem:s1+$0x6B00]  }
0x174: {  	v2 =	vadd.f32 v3, v2  }
0x175: {  	v3 =	vld [tilespmem:s1+$0x6B80]  }
0x176: {  	v2 =	vadd.f32 v56, v2  }
0x177: {  	v58 =	vld [tilespmem:s1+$0x7C00]  }
0x178: {  	v2 =	vadd.f32 v57, v2  }
0x179: {  	v59 =	vld [tilespmem:s1+$0x7C80]  }
0x17a: {  	v2 =	vadd.f32 v3, v2  }
0x17b: {  	v3 =	vld [tilespmem:s1+$0x7D00]  }
0x17c: {  	v2 =	vadd.f32 v58, v2  }
0x17d: {  	v60 =	vld [tilespmem:s1+$0x7D80]  }
0x17e: {  	v2 =	vadd.f32 v59, v2  }
0x17f: {  	v61 =	vld [tilespmem:s1+$0x7E00]  }
0x180: {  	v2 =	vadd.f32 v3, v2  }
0x181: {  	v3 =	vld [tilespmem:s1+$0x7E80]  }
0x182: {  	v2 =	vadd.f32 v60, v2  }
0x183: {  	v62 =	vld [tilespmem:s1+$0x7F00]  }
0x184: {  	v2 =	vadd.f32 v61, v2  }
0x185: {  	v63 =	vld [tilespmem:s1+$0x7F80]  }
0x186: {  	v2 =	vadd.f32 v3, v2;
	_ =	sdelay $0x1  }
0x187: {  	v2 =	vadd.f32 v62, v2;
	_ =	sdelay $0x1  }
0x188: {  	v2 =	vadd.f32 v63, v2  }
0x189: {  	s0 =	sadd.s32 $0x10, s0  }
0x18a: {  	s4 =	simm.s32 $0x100;
	s2 =	simm.s32 $0x9000;
	s1 =	rddreg [dreg:$0x15];
	[tilespmem:s0+$0x0] =	vst v2  }
0x18b: {  	[hbm4b:s1+s30] =	stream.strided.scatter [tilespmem:s2], [sflag:$0x1], $0x280, s4, s30, $0x38;
	[tilespmem:$0xBA80] =	vst v63  }
0x18c: {  	_ =	swait.ge [sflag:s28], $0x280  }
0x18d: {  	s31 =	sadd.s32 $0x1, s31;
	s5 =	rddreg [dreg:$0x16]  }
0x18e: {  	p0 =	sne.s32 s31, s5  }
.Ltmp3:
0x18f: {  	_ = 	snop;
	(pc) =	sbr.rel @p0 .LBB2_1-.Ltmp3, $3  }
0x190: {  	_ =	sdelay $0x1  }
0x191: {  	[sflag:s28] =	ssyncset.done $0x0  }
0x192: {  	[sflag:s28] =	ssyncadd.s32 $0xFFFFFD80  }
0x193: {  	_ =	sfence.sel $0x180000  }
0x194: {  	[bflag:$0x0] =	sbarrier.arrive $0xFFFF  }
0x195: {  	_ =	strace $0x90000047  }
0x196: {  	s0 =	stileid.u32;
	[bflag:$0x2] =	sbarrier.arrive $0xFFFF  }
0x197: {  	p0 =	sne.s32 s0, $0x0;
	s0 =	rddreg [dreg:$0x3]  }
0x198: {  	s0 =	sadd.s32 @!p0 $0x100000, s0  }
0x199: {  	[sflag:s0] =	ssyncadd.tile.s32 @!p0 $0x1;
	_ =	shalt  }
.Lfunc_end2:
_tile_overlayer_lowered:
.L_overlay_start_2:
0x19a: {  	(tag) =	ssettag $0x2  }
0x19b: {  	s0 =	rddreg [dreg:$0x0];
	s2 =	stileid.u32  }
0x19c: {  	s1 =	rddreg [dreg:$0x1];
	p0 =	sne.s32 s2, $0x0  }
0x19d: {  	s3 =	rddreg [dreg:$0x2];
	[bflag:$0x3] =	sbarrier.arrive $0xFFFF;
	s2 =	simm.s32 @!p0 $0x1C01  }
0x19e: {  	[timem:s3], [sflag:s2] =	dma.local @!p0 [hbm:s0], s1  }
0x19f: {  	s0 =	simm.s32 @!p0 $0x1  }
0x1a0: {  	_ =	swait.ge @!p0 [sflag:s0], s1  }
0x1a1: {  	s1 =	ssub.s32 @!p0 $0x0, s1;
	[sflag:s0] =	ssyncset.done @!p0 $0x0  }
0x1a2: {  	[sflag:s0] =	ssyncadd.s32 @!p0 s1  }
0x1a3: {  	[bflag:$0x3] =	sbarrier.arrive $0xFFFF  }
0x1a4: {  	_ =	shalt  }

</sc_bundles>
